<compile_context>
chip_gen: v7x
topology: tpu7x:2x2x1
jax: 0.10.2.dev20260603
libtpu: 0.0.44.dev20260713+nightly
codegen_flags: <defaults>
</compile_context>

<pallas_src>
import functools

import jax
import jax.numpy as jnp
from jax import lax
from jax.experimental import pallas as pl
from jax.experimental.pallas import tpu as pltpu
from jax.experimental.pallas import tpu_sc as plsc

_ROW = 128


def _build_gather(B, D, C, NC, NW, per_w):
    n_chunks = per_w // C
    n_pairs = n_chunks // 2
    k_per_c = C // _ROW
    mesh = plsc.VectorSubcoreMesh(core_axis_name="c", subcore_axis_name="s")

    @functools.partial(
        pl.kernel,
        mesh=mesh,
        out_type=jax.ShapeDtypeStruct((B, D), jnp.float32),
        scratch_types=[
            pltpu.VMEM((per_w // _ROW, _ROW), jnp.int32),
            pltpu.VMEM((2, C, D), jnp.float32),
            pltpu.SemaphoreType.DMA,
            pltpu.SemaphoreType.DMA,
        ],
        compiler_params=pltpu.CompilerParams(use_tc_tiling_on_sc=False),
    )
    def gather_kernel(ids_hbm, tab_hbm, out_hbm, idx_v, rows_v, sem0, sem1):
        sems = (sem0, sem1)
        wid = lax.axis_index("s") * NC + lax.axis_index("c")
        base = pl.multiple_of(wid * per_w, 8)

        pltpu.sync_copy(
            ids_hbm.at[pl.ds(base // _ROW, per_w // _ROW), :], idx_v
        )

        def start(i, b):
            for k in range(k_per_c):
                pltpu.async_copy(
                    tab_hbm.at[idx_v.at[i * k_per_c + k]],
                    rows_v.at[b].at[pl.ds(k * _ROW, _ROW)],
                    sems[b],
                )

        def finish(i, b):
            for k in range(k_per_c):
                pltpu.make_async_copy(
                    tab_hbm.at[idx_v.at[0]],
                    rows_v.at[b].at[pl.ds(0, _ROW)],
                    sems[b],
                ).wait()
            off = pl.multiple_of(base + i * C, 8)
            pltpu.sync_copy(rows_v.at[b], out_hbm.at[pl.ds(off, C)])

        start(0, 0)
        start(1, 1)

        def body(j, carry):
            for b in range(2):
                i = j * 2 + b
                finish(i - 2, b)
                start(i, b)
            return carry

        lax.fori_loop(1, n_pairs, body, 0)
        finish(n_chunks - 2, 0)
        finish(n_chunks - 1, 1)

    return gather_kernel


def kernel(token_ids, embedding):
    B0, S = token_ids.shape
    D = embedding.shape[1]
    B = B0 * S
    flat_ids = token_ids.T.reshape(B // _ROW, _ROW).astype(jnp.int32)

    info = plsc.get_sparse_core_info()
    NC, NS = info.num_cores, info.num_subcores
    NW = NC * NS
    per_w = B // NW
    C = 640

    out = _build_gather(B, D, C, NC, NW, per_w)(flat_ids, embedding)
    return out.reshape(S, B0, D).transpose(1, 0, 2)

# --- scband reference (transcript-rebuilt; emitter-appended) ---
"""Pipeline reference for scband-embedding-970662609065 (READ-ONLY COPY).

The authoritative reference and input builder live on the scoring server;
editing this copy changes nothing except your own understanding.
"""

import jax, jax.numpy as jnp
import numpy as np

NUM_EMBEDDINGS = 1000000
EMBEDDING_DIM = 64


def setup_inputs(seed: int = 0) -> dict:
    key = jax.random.key(seed)
    k_idx, k_emb = jax.random.split(key)
    token_ids = jax.random.randint(k_idx, (16384, 50), 0, NUM_EMBEDDINGS, dtype=jnp.int64 if jax.config.jax_enable_x64 else jnp.int32)
    # trunc_normal_(0,1,-3,3) approximated via clipped normal
    emb = jax.random.truncated_normal(k_emb, -3.0, 3.0, (NUM_EMBEDDINGS, EMBEDDING_DIM), dtype=jnp.float32)
    return {"token_ids": token_ids, "embedding": emb}


def reference(token_ids, embedding):
    # faithful to torch: self.embedding[token_ids]
    return jnp.take(embedding, token_ids, axis=0)

if __name__ == "__main__":
    import jax
    _d = setup_inputs()
    print(jax.jit(kernel)(*tuple(_d.values())))

</pallas_src>

<mosaic_0001>
#map = affine_map<(d0, d1) -> (0, 0)>
module attributes {stable_mosaic.version = 14 : i64} {
  func.func @gather_kernel(%arg0: i32, %arg1: i32, %arg2: memref<6400x128xi32, #tpu.memory_space<hbm>>, %arg3: memref<1000000x64xf32, #tpu.memory_space<hbm>>, %arg4: memref<819200x64xf32, #tpu.memory_space<hbm>>, %arg5: memref<200x128xi32, #tpu.memory_space<vmem>>, %arg6: memref<2x640x64xf32, #tpu.memory_space<vmem>>, %arg7: memref<!tpu.dma_semaphore, #tpu.memory_space<semaphore_mem>>, %arg8: memref<!tpu.dma_semaphore, #tpu.memory_space<semaphore_mem>>) attributes {dimension_semantics = [#tpu.dimension_semantics<core_parallel>, #tpu.dimension_semantics<subcore_parallel>], iteration_bounds = array<i64: 2, 16>, scalar_prefetch = 0 : i64, scratch_operands = 4 : i64, tpu.core_type = #tpu.core_type<sc_vector_subcore>, window_params = [{transform_indices = #map}, {transform_indices = #map}, {transform_indices = #map}]} {
    %mul3A = arith.constant 2 : i32
    %mul3A_0 = arith.muli %arg1, %mul3A : i32
    %add3A = arith.addi %mul3A_0, %arg0 : i32
    %mul3A_1 = arith.constant 25600 : i32
    %mul3A_2 = arith.muli %add3A, %mul3A_1 : i32
    %multiple_of3A = tpu.assume_multiple %mul3A_2, 8 : i32
    %jit3A = arith.constant 128 : i32
    %div3A = arith.divsi %multiple_of3A, %jit3A : i32
    %sign3A = arith.constant 0 : i32
    %sign3A_3 = arith.cmpi sgt, %multiple_of3A, %sign3A : i32
    %sign3A_4 = arith.extui %sign3A_3 : i1 to i32
    %sign3A_5 = arith.constant 0 : i32
    %sign3A_6 = arith.cmpi slt, %multiple_of3A, %sign3A_5 : i32
    %sign3A_7 = arith.extui %sign3A_6 : i1 to i32
    %sign3A_8 = arith.subi %sign3A_4, %sign3A_7 : i32
    %sign3A_9 = arith.constant 0 : i32
    %sign3A_10 = arith.cmpi sgt, %jit3A, %sign3A_9 : i32
    %sign3A_11 = arith.extui %sign3A_10 : i1 to i32
    %sign3A_12 = arith.constant 0 : i32
    %sign3A_13 = arith.cmpi slt, %jit3A, %sign3A_12 : i32
    %sign3A_14 = arith.extui %sign3A_13 : i1 to i32
    %sign3A_15 = arith.subi %sign3A_11, %sign3A_14 : i32
    %ne3A = arith.cmpi ne, %sign3A_8, %sign3A_15 : i32
    %rem3A = arith.remsi %multiple_of3A, %jit3A : i32
    %ne3A_16 = arith.constant 0 : i32
    %ne3A_17 = arith.cmpi ne, %rem3A, %ne3A_16 : i32
    %and3A = arith.andi %ne3A, %ne3A_17 : i1
    %sub3A = arith.constant 1 : i32
    %sub3A_18 = arith.subi %div3A, %sub3A : i32
    %select_n3A = arith.select %and3A, %sub3A_18, %div3A : i32
    "tpu.region"() ({
      %run_scoped3A_329 = tpu.sem_alloc : memref<!tpu.dma_semaphore, #tpu.memory_space<semaphore_mem>>
      %dma_start3A_330 = arith.constant 0 : i32
      %dma_start3A_331 = tpu.memref_slice %arg2[%select_n3A, %dma_start3A_330] : memref<6400x128xi32, #tpu.memory_space<hbm>> -> memref<200x128xi32, #tpu.memory_space<hbm>>
      %dma_start3A_332 = arith.constant 0 : i32
      %dma_start3A_333 = tpu.memref_slice %arg2[%select_n3A, %dma_start3A_332] : memref<6400x128xi32, #tpu.memory_space<hbm>> -> memref<200x128xi32, #tpu.memory_space<hbm>>
      tpu.enqueue_dma source(%dma_start3A_333 : memref<200x128xi32, #tpu.memory_space<hbm>>) target(%arg5 : memref<200x128xi32, #tpu.memory_space<vmem>>) target_semaphore(%run_scoped3A_329 : memref<!tpu.dma_semaphore, #tpu.memory_space<semaphore_mem>>)
      %dma_wait3A_334 = arith.constant 0 : i32
      %dma_wait3A_335 = tpu.memref_slice %arg2[%select_n3A, %dma_wait3A_334] : memref<6400x128xi32, #tpu.memory_space<hbm>> -> memref<200x128xi32, #tpu.memory_space<hbm>>
      %dma_wait3A_336 = arith.constant 0 : i32
      %dma_wait3A_337 = tpu.memref_slice %arg2[%select_n3A, %dma_wait3A_336] : memref<6400x128xi32, #tpu.memory_space<hbm>> -> memref<200x128xi32, #tpu.memory_space<hbm>>
      tpu.wait_dma2 semaphore(%run_scoped3A_329 : memref<!tpu.dma_semaphore, #tpu.memory_space<semaphore_mem>>) src(%dma_wait3A_337 : memref<200x128xi32, #tpu.memory_space<hbm>>) dst(%arg5 : memref<200x128xi32, #tpu.memory_space<vmem>>)
      tpu.yield
    }) : () -> ()
    %dma_start3A = arith.constant 0 : i32
    %dma_start3A_19 = arith.constant 0 : i32
    %dma_start3A_20 = arith.constant 0 : i32
    %dma_start3A_21 = arith.constant 0 : i32
    %dma_start3A_22 = tpu.memref_slice %arg6[%dma_start3A_19, %dma_start3A_20, %dma_start3A_21] : memref<2x640x64xf32, #tpu.memory_space<vmem>> -> memref<1x640x64xf32, #tpu.memory_space<vmem>>
    %dma_start3A_23 = tpu.memref_squeeze %dma_start3A_22 : memref<1x640x64xf32, #tpu.memory_space<vmem>> -> memref<640x64xf32, #tpu.memory_space<vmem>>
    %dma_start3A_24 = arith.constant 0 : i32
    %dma_start3A_25 = arith.constant 0 : i32
    %dma_start3A_26 = tpu.memref_slice %dma_start3A_23[%dma_start3A_24, %dma_start3A_25] : memref<640x64xf32, #tpu.memory_space<vmem>> -> memref<128x64xf32, #tpu.memory_space<vmem>>
    %dma_start3A_27 = arith.constant 0 : i32
    %dma_start3A_28 = tpu.memref_slice %arg5[%dma_start3A, %dma_start3A_27] : memref<200x128xi32, #tpu.memory_space<vmem>> -> memref<1x128xi32, #tpu.memory_space<vmem>>
    %dma_start3A_29 = tpu.memref_squeeze %dma_start3A_28 : memref<1x128xi32, #tpu.memory_space<vmem>> -> memref<128xi32, #tpu.memory_space<vmem>>
    %dma_start3A_30 = arith.constant 0 : i32
    %dma_start3A_31 = arith.constant 0 : i32
    %dma_start3A_32 = tpu.memref_slice %arg3[%dma_start3A_30, %dma_start3A_31] : memref<1000000x64xf32, #tpu.memory_space<hbm>> -> memref<1000000x64xf32, #tpu.memory_space<hbm>>
    tpu.enqueue_indirect_dma source(%dma_start3A_32 : memref<1000000x64xf32, #tpu.memory_space<hbm>>) target(%dma_start3A_26 : memref<128x64xf32, #tpu.memory_space<vmem>>) offsets(%dma_start3A_29 : memref<128xi32, #tpu.memory_space<vmem>>) semaphore(%arg7 : memref<!tpu.dma_semaphore, #tpu.memory_space<semaphore_mem>>)
    %dma_start3A_33 = arith.constant 1 : i32
    %dma_start3A_34 = arith.constant 0 : i32
    %dma_start3A_35 = arith.constant 0 : i32
    %dma_start3A_36 = arith.constant 0 : i32
    %dma_start3A_37 = tpu.memref_slice %arg6[%dma_start3A_34, %dma_start3A_35, %dma_start3A_36] : memref<2x640x64xf32, #tpu.memory_space<vmem>> -> memref<1x640x64xf32, #tpu.memory_space<vmem>>
    %dma_start3A_38 = tpu.memref_squeeze %dma_start3A_37 : memref<1x640x64xf32, #tpu.memory_space<vmem>> -> memref<640x64xf32, #tpu.memory_space<vmem>>
    %dma_start3A_39 = arith.constant 128 : i32
    %dma_start3A_40 = arith.constant 0 : i32
    %dma_start3A_41 = tpu.memref_slice %dma_start3A_38[%dma_start3A_39, %dma_start3A_40] : memref<640x64xf32, #tpu.memory_space<vmem>> -> memref<128x64xf32, #tpu.memory_space<vmem>>
    %dma_start3A_42 = arith.constant 0 : i32
    %dma_start3A_43 = tpu.memref_slice %arg5[%dma_start3A_33, %dma_start3A_42] : memref<200x128xi32, #tpu.memory_space<vmem>> -> memref<1x128xi32, #tpu.memory_space<vmem>>
    %dma_start3A_44 = tpu.memref_squeeze %dma_start3A_43 : memref<1x128xi32, #tpu.memory_space<vmem>> -> memref<128xi32, #tpu.memory_space<vmem>>
    %dma_start3A_45 = arith.constant 0 : i32
    %dma_start3A_46 = arith.constant 0 : i32
    %dma_start3A_47 = tpu.memref_slice %arg3[%dma_start3A_45, %dma_start3A_46] : memref<1000000x64xf32, #tpu.memory_space<hbm>> -> memref<1000000x64xf32, #tpu.memory_space<hbm>>
    tpu.enqueue_indirect_dma source(%dma_start3A_47 : memref<1000000x64xf32, #tpu.memory_space<hbm>>) target(%dma_start3A_41 : memref<128x64xf32, #tpu.memory_space<vmem>>) offsets(%dma_start3A_44 : memref<128xi32, #tpu.memory_space<vmem>>) semaphore(%arg7 : memref<!tpu.dma_semaphore, #tpu.memory_space<semaphore_mem>>)
    %dma_start3A_48 = arith.constant 2 : i32
    %dma_start3A_49 = arith.constant 0 : i32
    %dma_start3A_50 = arith.constant 0 : i32
    %dma_start3A_51 = arith.constant 0 : i32
    %dma_start3A_52 = tpu.memref_slice %arg6[%dma_start3A_49, %dma_start3A_50, %dma_start3A_51] : memref<2x640x64xf32, #tpu.memory_space<vmem>> -> memref<1x640x64xf32, #tpu.memory_space<vmem>>
    %dma_start3A_53 = tpu.memref_squeeze %dma_start3A_52 : memref<1x640x64xf32, #tpu.memory_space<vmem>> -> memref<640x64xf32, #tpu.memory_space<vmem>>
    %dma_start3A_54 = arith.constant 256 : i32
    %dma_start3A_55 = arith.constant 0 : i32
    %dma_start3A_56 = tpu.memref_slice %dma_start3A_53[%dma_start3A_54, %dma_start3A_55] : memref<640x64xf32, #tpu.memory_space<vmem>> -> memref<128x64xf32, #tpu.memory_space<vmem>>
    %dma_start3A_57 = arith.constant 0 : i32
    %dma_start3A_58 = tpu.memref_slice %arg5[%dma_start3A_48, %dma_start3A_57] : memref<200x128xi32, #tpu.memory_space<vmem>> -> memref<1x128xi32, #tpu.memory_space<vmem>>
    %dma_start3A_59 = tpu.memref_squeeze %dma_start3A_58 : memref<1x128xi32, #tpu.memory_space<vmem>> -> memref<128xi32, #tpu.memory_space<vmem>>
    %dma_start3A_60 = arith.constant 0 : i32
    %dma_start3A_61 = arith.constant 0 : i32
    %dma_start3A_62 = tpu.memref_slice %arg3[%dma_start3A_60, %dma_start3A_61] : memref<1000000x64xf32, #tpu.memory_space<hbm>> -> memref<1000000x64xf32, #tpu.memory_space<hbm>>
    tpu.enqueue_indirect_dma source(%dma_start3A_62 : memref<1000000x64xf32, #tpu.memory_space<hbm>>) target(%dma_start3A_56 : memref<128x64xf32, #tpu.memory_space<vmem>>) offsets(%dma_start3A_59 : memref<128xi32, #tpu.memory_space<vmem>>) semaphore(%arg7 : memref<!tpu.dma_semaphore, #tpu.memory_space<semaphore_mem>>)
    %dma_start3A_63 = arith.constant 3 : i32
    %dma_start3A_64 = arith.constant 0 : i32
    %dma_start3A_65 = arith.constant 0 : i32
    %dma_start3A_66 = arith.constant 0 : i32
    %dma_start3A_67 = tpu.memref_slice %arg6[%dma_start3A_64, %dma_start3A_65, %dma_start3A_66] : memref<2x640x64xf32, #tpu.memory_space<vmem>> -> memref<1x640x64xf32, #tpu.memory_space<vmem>>
    %dma_start3A_68 = tpu.memref_squeeze %dma_start3A_67 : memref<1x640x64xf32, #tpu.memory_space<vmem>> -> memref<640x64xf32, #tpu.memory_space<vmem>>
    %dma_start3A_69 = arith.constant 384 : i32
    %dma_start3A_70 = arith.constant 0 : i32
    %dma_start3A_71 = tpu.memref_slice %dma_start3A_68[%dma_start3A_69, %dma_start3A_70] : memref<640x64xf32, #tpu.memory_space<vmem>> -> memref<128x64xf32, #tpu.memory_space<vmem>>
    %dma_start3A_72 = arith.constant 0 : i32
    %dma_start3A_73 = tpu.memref_slice %arg5[%dma_start3A_63, %dma_start3A_72] : memref<200x128xi32, #tpu.memory_space<vmem>> -> memref<1x128xi32, #tpu.memory_space<vmem>>
    %dma_start3A_74 = tpu.memref_squeeze %dma_start3A_73 : memref<1x128xi32, #tpu.memory_space<vmem>> -> memref<128xi32, #tpu.memory_space<vmem>>
    %dma_start3A_75 = arith.constant 0 : i32
    %dma_start3A_76 = arith.constant 0 : i32
    %dma_start3A_77 = tpu.memref_slice %arg3[%dma_start3A_75, %dma_start3A_76] : memref<1000000x64xf32, #tpu.memory_space<hbm>> -> memref<1000000x64xf32, #tpu.memory_space<hbm>>
    tpu.enqueue_indirect_dma source(%dma_start3A_77 : memref<1000000x64xf32, #tpu.memory_space<hbm>>) target(%dma_start3A_71 : memref<128x64xf32, #tpu.memory_space<vmem>>) offsets(%dma_start3A_74 : memref<128xi32, #tpu.memory_space<vmem>>) semaphore(%arg7 : memref<!tpu.dma_semaphore, #tpu.memory_space<semaphore_mem>>)
    %dma_start3A_78 = arith.constant 4 : i32
    %dma_start3A_79 = arith.constant 0 : i32
    %dma_start3A_80 = arith.constant 0 : i32
    %dma_start3A_81 = arith.constant 0 : i32
    %dma_start3A_82 = tpu.memref_slice %arg6[%dma_start3A_79, %dma_start3A_80, %dma_start3A_81] : memref<2x640x64xf32, #tpu.memory_space<vmem>> -> memref<1x640x64xf32, #tpu.memory_space<vmem>>
    %dma_start3A_83 = tpu.memref_squeeze %dma_start3A_82 : memref<1x640x64xf32, #tpu.memory_space<vmem>> -> memref<640x64xf32, #tpu.memory_space<vmem>>
    %dma_start3A_84 = arith.constant 512 : i32
    %dma_start3A_85 = arith.constant 0 : i32
    %dma_start3A_86 = tpu.memref_slice %dma_start3A_83[%dma_start3A_84, %dma_start3A_85] : memref<640x64xf32, #tpu.memory_space<vmem>> -> memref<128x64xf32, #tpu.memory_space<vmem>>
    %dma_start3A_87 = arith.constant 0 : i32
    %dma_start3A_88 = tpu.memref_slice %arg5[%dma_start3A_78, %dma_start3A_87] : memref<200x128xi32, #tpu.memory_space<vmem>> -> memref<1x128xi32, #tpu.memory_space<vmem>>
    %dma_start3A_89 = tpu.memref_squeeze %dma_start3A_88 : memref<1x128xi32, #tpu.memory_space<vmem>> -> memref<128xi32, #tpu.memory_space<vmem>>
    %dma_start3A_90 = arith.constant 0 : i32
    %dma_start3A_91 = arith.constant 0 : i32
    %dma_start3A_92 = tpu.memref_slice %arg3[%dma_start3A_90, %dma_start3A_91] : memref<1000000x64xf32, #tpu.memory_space<hbm>> -> memref<1000000x64xf32, #tpu.memory_space<hbm>>
    tpu.enqueue_indirect_dma source(%dma_start3A_92 : memref<1000000x64xf32, #tpu.memory_space<hbm>>) target(%dma_start3A_86 : memref<128x64xf32, #tpu.memory_space<vmem>>) offsets(%dma_start3A_89 : memref<128xi32, #tpu.memory_space<vmem>>) semaphore(%arg7 : memref<!tpu.dma_semaphore, #tpu.memory_space<semaphore_mem>>)
    %dma_start3A_93 = arith.constant 5 : i32
    %dma_start3A_94 = arith.constant 1 : i32
    %dma_start3A_95 = arith.constant 0 : i32
    %dma_start3A_96 = arith.constant 0 : i32
    %dma_start3A_97 = tpu.memref_slice %arg6[%dma_start3A_94, %dma_start3A_95, %dma_start3A_96] : memref<2x640x64xf32, #tpu.memory_space<vmem>> -> memref<1x640x64xf32, #tpu.memory_space<vmem>>
    %dma_start3A_98 = tpu.memref_squeeze %dma_start3A_97 : memref<1x640x64xf32, #tpu.memory_space<vmem>> -> memref<640x64xf32, #tpu.memory_space<vmem>>
    %dma_start3A_99 = arith.constant 0 : i32
    %dma_start3A_100 = arith.constant 0 : i32
    %dma_start3A_101 = tpu.memref_slice %dma_start3A_98[%dma_start3A_99, %dma_start3A_100] : memref<640x64xf32, #tpu.memory_space<vmem>> -> memref<128x64xf32, #tpu.memory_space<vmem>>
    %dma_start3A_102 = arith.constant 0 : i32
    %dma_start3A_103 = tpu.memref_slice %arg5[%dma_start3A_93, %dma_start3A_102] : memref<200x128xi32, #tpu.memory_space<vmem>> -> memref<1x128xi32, #tpu.memory_space<vmem>>
    %dma_start3A_104 = tpu.memref_squeeze %dma_start3A_103 : memref<1x128xi32, #tpu.memory_space<vmem>> -> memref<128xi32, #tpu.memory_space<vmem>>
    %dma_start3A_105 = arith.constant 0 : i32
    %dma_start3A_106 = arith.constant 0 : i32
    %dma_start3A_107 = tpu.memref_slice %arg3[%dma_start3A_105, %dma_start3A_106] : memref<1000000x64xf32, #tpu.memory_space<hbm>> -> memref<1000000x64xf32, #tpu.memory_space<hbm>>
    tpu.enqueue_indirect_dma source(%dma_start3A_107 : memref<1000000x64xf32, #tpu.memory_space<hbm>>) target(%dma_start3A_101 : memref<128x64xf32, #tpu.memory_space<vmem>>) offsets(%dma_start3A_104 : memref<128xi32, #tpu.memory_space<vmem>>) semaphore(%arg8 : memref<!tpu.dma_semaphore, #tpu.memory_space<semaphore_mem>>)
    %dma_start3A_108 = arith.constant 6 : i32
    %dma_start3A_109 = arith.constant 1 : i32
    %dma_start3A_110 = arith.constant 0 : i32
    %dma_start3A_111 = arith.constant 0 : i32
    %dma_start3A_112 = tpu.memref_slice %arg6[%dma_start3A_109, %dma_start3A_110, %dma_start3A_111] : memref<2x640x64xf32, #tpu.memory_space<vmem>> -> memref<1x640x64xf32, #tpu.memory_space<vmem>>
    %dma_start3A_113 = tpu.memref_squeeze %dma_start3A_112 : memref<1x640x64xf32, #tpu.memory_space<vmem>> -> memref<640x64xf32, #tpu.memory_space<vmem>>
    %dma_start3A_114 = arith.constant 128 : i32
    %dma_start3A_115 = arith.constant 0 : i32
    %dma_start3A_116 = tpu.memref_slice %dma_start3A_113[%dma_start3A_114, %dma_start3A_115] : memref<640x64xf32, #tpu.memory_space<vmem>> -> memref<128x64xf32, #tpu.memory_space<vmem>>
    %dma_start3A_117 = arith.constant 0 : i32
    %dma_start3A_118 = tpu.memref_slice %arg5[%dma_start3A_108, %dma_start3A_117] : memref<200x128xi32, #tpu.memory_space<vmem>> -> memref<1x128xi32, #tpu.memory_space<vmem>>
    %dma_start3A_119 = tpu.memref_squeeze %dma_start3A_118 : memref<1x128xi32, #tpu.memory_space<vmem>> -> memref<128xi32, #tpu.memory_space<vmem>>
    %dma_start3A_120 = arith.constant 0 : i32
    %dma_start3A_121 = arith.constant 0 : i32
    %dma_start3A_122 = tpu.memref_slice %arg3[%dma_start3A_120, %dma_start3A_121] : memref<1000000x64xf32, #tpu.memory_space<hbm>> -> memref<1000000x64xf32, #tpu.memory_space<hbm>>
    tpu.enqueue_indirect_dma source(%dma_start3A_122 : memref<1000000x64xf32, #tpu.memory_space<hbm>>) target(%dma_start3A_116 : memref<128x64xf32, #tpu.memory_space<vmem>>) offsets(%dma_start3A_119 : memref<128xi32, #tpu.memory_space<vmem>>) semaphore(%arg8 : memref<!tpu.dma_semaphore, #tpu.memory_space<semaphore_mem>>)
    %dma_start3A_123 = arith.constant 7 : i32
    %dma_start3A_124 = arith.constant 1 : i32
    %dma_start3A_125 = arith.constant 0 : i32
    %dma_start3A_126 = arith.constant 0 : i32
    %dma_start3A_127 = tpu.memref_slice %arg6[%dma_start3A_124, %dma_start3A_125, %dma_start3A_126] : memref<2x640x64xf32, #tpu.memory_space<vmem>> -> memref<1x640x64xf32, #tpu.memory_space<vmem>>
    %dma_start3A_128 = tpu.memref_squeeze %dma_start3A_127 : memref<1x640x64xf32, #tpu.memory_space<vmem>> -> memref<640x64xf32, #tpu.memory_space<vmem>>
    %dma_start3A_129 = arith.constant 256 : i32
    %dma_start3A_130 = arith.constant 0 : i32
    %dma_start3A_131 = tpu.memref_slice %dma_start3A_128[%dma_start3A_129, %dma_start3A_130] : memref<640x64xf32, #tpu.memory_space<vmem>> -> memref<128x64xf32, #tpu.memory_space<vmem>>
    %dma_start3A_132 = arith.constant 0 : i32
    %dma_start3A_133 = tpu.memref_slice %arg5[%dma_start3A_123, %dma_start3A_132] : memref<200x128xi32, #tpu.memory_space<vmem>> -> memref<1x128xi32, #tpu.memory_space<vmem>>
    %dma_start3A_134 = tpu.memref_squeeze %dma_start3A_133 : memref<1x128xi32, #tpu.memory_space<vmem>> -> memref<128xi32, #tpu.memory_space<vmem>>
    %dma_start3A_135 = arith.constant 0 : i32
    %dma_start3A_136 = arith.constant 0 : i32
    %dma_start3A_137 = tpu.memref_slice %arg3[%dma_start3A_135, %dma_start3A_136] : memref<1000000x64xf32, #tpu.memory_space<hbm>> -> memref<1000000x64xf32, #tpu.memory_space<hbm>>
    tpu.enqueue_indirect_dma source(%dma_start3A_137 : memref<1000000x64xf32, #tpu.memory_space<hbm>>) target(%dma_start3A_131 : memref<128x64xf32, #tpu.memory_space<vmem>>) offsets(%dma_start3A_134 : memref<128xi32, #tpu.memory_space<vmem>>) semaphore(%arg8 : memref<!tpu.dma_semaphore, #tpu.memory_space<semaphore_mem>>)
    %dma_start3A_138 = arith.constant 8 : i32
    %dma_start3A_139 = arith.constant 1 : i32
    %dma_start3A_140 = arith.constant 0 : i32
    %dma_start3A_141 = arith.constant 0 : i32
    %dma_start3A_142 = tpu.memref_slice %arg6[%dma_start3A_139, %dma_start3A_140, %dma_start3A_141] : memref<2x640x64xf32, #tpu.memory_space<vmem>> -> memref<1x640x64xf32, #tpu.memory_space<vmem>>
    %dma_start3A_143 = tpu.memref_squeeze %dma_start3A_142 : memref<1x640x64xf32, #tpu.memory_space<vmem>> -> memref<640x64xf32, #tpu.memory_space<vmem>>
    %dma_start3A_144 = arith.constant 384 : i32
    %dma_start3A_145 = arith.constant 0 : i32
    %dma_start3A_146 = tpu.memref_slice %dma_start3A_143[%dma_start3A_144, %dma_start3A_145] : memref<640x64xf32, #tpu.memory_space<vmem>> -> memref<128x64xf32, #tpu.memory_space<vmem>>
    %dma_start3A_147 = arith.constant 0 : i32
    %dma_start3A_148 = tpu.memref_slice %arg5[%dma_start3A_138, %dma_start3A_147] : memref<200x128xi32, #tpu.memory_space<vmem>> -> memref<1x128xi32, #tpu.memory_space<vmem>>
    %dma_start3A_149 = tpu.memref_squeeze %dma_start3A_148 : memref<1x128xi32, #tpu.memory_space<vmem>> -> memref<128xi32, #tpu.memory_space<vmem>>
    %dma_start3A_150 = arith.constant 0 : i32
    %dma_start3A_151 = arith.constant 0 : i32
    %dma_start3A_152 = tpu.memref_slice %arg3[%dma_start3A_150, %dma_start3A_151] : memref<1000000x64xf32, #tpu.memory_space<hbm>> -> memref<1000000x64xf32, #tpu.memory_space<hbm>>
    tpu.enqueue_indirect_dma source(%dma_start3A_152 : memref<1000000x64xf32, #tpu.memory_space<hbm>>) target(%dma_start3A_146 : memref<128x64xf32, #tpu.memory_space<vmem>>) offsets(%dma_start3A_149 : memref<128xi32, #tpu.memory_space<vmem>>) semaphore(%arg8 : memref<!tpu.dma_semaphore, #tpu.memory_space<semaphore_mem>>)
    %dma_start3A_153 = arith.constant 9 : i32
    %dma_start3A_154 = arith.constant 1 : i32
    %dma_start3A_155 = arith.constant 0 : i32
    %dma_start3A_156 = arith.constant 0 : i32
    %dma_start3A_157 = tpu.memref_slice %arg6[%dma_start3A_154, %dma_start3A_155, %dma_start3A_156] : memref<2x640x64xf32, #tpu.memory_space<vmem>> -> memref<1x640x64xf32, #tpu.memory_space<vmem>>
    %dma_start3A_158 = tpu.memref_squeeze %dma_start3A_157 : memref<1x640x64xf32, #tpu.memory_space<vmem>> -> memref<640x64xf32, #tpu.memory_space<vmem>>
    %dma_start3A_159 = arith.constant 512 : i32
    %dma_start3A_160 = arith.constant 0 : i32
    %dma_start3A_161 = tpu.memref_slice %dma_start3A_158[%dma_start3A_159, %dma_start3A_160] : memref<640x64xf32, #tpu.memory_space<vmem>> -> memref<128x64xf32, #tpu.memory_space<vmem>>
    %dma_start3A_162 = arith.constant 0 : i32
    %dma_start3A_163 = tpu.memref_slice %arg5[%dma_start3A_153, %dma_start3A_162] : memref<200x128xi32, #tpu.memory_space<vmem>> -> memref<1x128xi32, #tpu.memory_space<vmem>>
    %dma_start3A_164 = tpu.memref_squeeze %dma_start3A_163 : memref<1x128xi32, #tpu.memory_space<vmem>> -> memref<128xi32, #tpu.memory_space<vmem>>
    %dma_start3A_165 = arith.constant 0 : i32
    %dma_start3A_166 = arith.constant 0 : i32
    %dma_start3A_167 = tpu.memref_slice %arg3[%dma_start3A_165, %dma_start3A_166] : memref<1000000x64xf32, #tpu.memory_space<hbm>> -> memref<1000000x64xf32, #tpu.memory_space<hbm>>
    tpu.enqueue_indirect_dma source(%dma_start3A_167 : memref<1000000x64xf32, #tpu.memory_space<hbm>>) target(%dma_start3A_161 : memref<128x64xf32, #tpu.memory_space<vmem>>) offsets(%dma_start3A_164 : memref<128xi32, #tpu.memory_space<vmem>>) semaphore(%arg8 : memref<!tpu.dma_semaphore, #tpu.memory_space<semaphore_mem>>)
    %scan3A = arith.constant 0 : i32
    %scan3A_168 = arith.constant 1 : i32
    %scan3A_169 = arith.constant 19 : i32
    %scan3A_170 = arith.addi %scan3A_168, %scan3A_169 : i32
    %scan3A_171 = arith.constant 1 : i32
    scf.for %scan3A_329 = %scan3A_168 to %scan3A_170 step %scan3A_171  : i32 {
      %mul3A_330 = arith.constant 2 : i32
      %mul3A_331 = arith.muli %scan3A_329, %mul3A_330 : i32
      %add3A_332 = arith.constant 0 : i32
      %add3A_333 = arith.addi %mul3A_331, %add3A_332 : i32
      %sub3A_334 = arith.constant 2 : i32
      %sub3A_335 = arith.subi %add3A_333, %sub3A_334 : i32
      %dma_wait3A_336 = arith.constant 0 : i32
      %dma_wait3A_337 = arith.constant 0 : i32
      %dma_wait3A_338 = arith.constant 0 : i32
      %dma_wait3A_339 = arith.constant 0 : i32
      %dma_wait3A_340 = tpu.memref_slice %arg6[%dma_wait3A_337, %dma_wait3A_338, %dma_wait3A_339] : memref<2x640x64xf32, #tpu.memory_space<vmem>> -> memref<1x640x64xf32, #tpu.memory_space<vmem>>
      %dma_wait3A_341 = tpu.memref_squeeze %dma_wait3A_340 : memref<1x640x64xf32, #tpu.memory_space<vmem>> -> memref<640x64xf32, #tpu.memory_space<vmem>>
      %dma_wait3A_342 = arith.constant 0 : i32
      %dma_wait3A_343 = arith.constant 0 : i32
      %dma_wait3A_344 = tpu.memref_slice %dma_wait3A_341[%dma_wait3A_342, %dma_wait3A_343] : memref<640x64xf32, #tpu.memory_space<vmem>> -> memref<128x64xf32, #tpu.memory_space<vmem>>
      %dma_wait3A_345 = arith.constant 0 : i32
      %dma_wait3A_346 = tpu.memref_slice %arg5[%dma_wait3A_336, %dma_wait3A_345] : memref<200x128xi32, #tpu.memory_space<vmem>> -> memref<1x128xi32, #tpu.memory_space<vmem>>
      %dma_wait3A_347 = tpu.memref_squeeze %dma_wait3A_346 : memref<1x128xi32, #tpu.memory_space<vmem>> -> memref<128xi32, #tpu.memory_space<vmem>>
      %dma_wait3A_348 = arith.constant 0 : i32
      %dma_wait3A_349 = arith.constant 0 : i32
      %dma_wait3A_350 = tpu.memref_slice %arg3[%dma_wait3A_348, %dma_wait3A_349] : memref<1000000x64xf32, #tpu.memory_space<hbm>> -> memref<1000000x64xf32, #tpu.memory_space<hbm>>
      tpu.wait_indirect_dma semaphore(%arg7 : memref<!tpu.dma_semaphore, #tpu.memory_space<semaphore_mem>>) src(%dma_wait3A_350 : memref<1000000x64xf32, #tpu.memory_space<hbm>>) dst(%dma_wait3A_344 : memref<128x64xf32, #tpu.memory_space<vmem>>)
      %dma_wait3A_351 = arith.constant 0 : i32
      %dma_wait3A_352 = arith.constant 0 : i32
      %dma_wait3A_353 = arith.constant 0 : i32
      %dma_wait3A_354 = arith.constant 0 : i32
      %dma_wait3A_355 = tpu.memref_slice %arg6[%dma_wait3A_352, %dma_wait3A_353, %dma_wait3A_354] : memref<2x640x64xf32, #tpu.memory_space<vmem>> -> memref<1x640x64xf32, #tpu.memory_space<vmem>>
      %dma_wait3A_356 = tpu.memref_squeeze %dma_wait3A_355 : memref<1x640x64xf32, #tpu.memory_space<vmem>> -> memref<640x64xf32, #tpu.memory_space<vmem>>
      %dma_wait3A_357 = arith.constant 0 : i32
      %dma_wait3A_358 = arith.constant 0 : i32
      %dma_wait3A_359 = tpu.memref_slice %dma_wait3A_356[%dma_wait3A_357, %dma_wait3A_358] : memref<640x64xf32, #tpu.memory_space<vmem>> -> memref<128x64xf32, #tpu.memory_space<vmem>>
      %dma_wait3A_360 = arith.constant 0 : i32
      %dma_wait3A_361 = tpu.memref_slice %arg5[%dma_wait3A_351, %dma_wait3A_360] : memref<200x128xi32, #tpu.memory_space<vmem>> -> memref<1x128xi32, #tpu.memory_space<vmem>>
      %dma_wait3A_362 = tpu.memref_squeeze %dma_wait3A_361 : memref<1x128xi32, #tpu.memory_space<vmem>> -> memref<128xi32, #tpu.memory_space<vmem>>
      %dma_wait3A_363 = arith.constant 0 : i32
      %dma_wait3A_364 = arith.constant 0 : i32
      %dma_wait3A_365 = tpu.memref_slice %arg3[%dma_wait3A_363, %dma_wait3A_364] : memref<1000000x64xf32, #tpu.memory_space<hbm>> -> memref<1000000x64xf32, #tpu.memory_space<hbm>>
      tpu.wait_indirect_dma semaphore(%arg7 : memref<!tpu.dma_semaphore, #tpu.memory_space<semaphore_mem>>) src(%dma_wait3A_365 : memref<1000000x64xf32, #tpu.memory_space<hbm>>) dst(%dma_wait3A_359 : memref<128x64xf32, #tpu.memory_space<vmem>>)
      %dma_wait3A_366 = arith.constant 0 : i32
      %dma_wait3A_367 = arith.constant 0 : i32
      %dma_wait3A_368 = arith.constant 0 : i32
      %dma_wait3A_369 = arith.constant 0 : i32
      %dma_wait3A_370 = tpu.memref_slice %arg6[%dma_wait3A_367, %dma_wait3A_368, %dma_wait3A_369] : memref<2x640x64xf32, #tpu.memory_space<vmem>> -> memref<1x640x64xf32, #tpu.memory_space<vmem>>
      %dma_wait3A_371 = tpu.memref_squeeze %dma_wait3A_370 : memref<1x640x64xf32, #tpu.memory_space<vmem>> -> memref<640x64xf32, #tpu.memory_space<vmem>>
      %dma_wait3A_372 = arith.constant 0 : i32
      %dma_wait3A_373 = arith.constant 0 : i32
      %dma_wait3A_374 = tpu.memref_slice %dma_wait3A_371[%dma_wait3A_372, %dma_wait3A_373] : memref<640x64xf32, #tpu.memory_space<vmem>> -> memref<128x64xf32, #tpu.memory_space<vmem>>
      %dma_wait3A_375 = arith.constant 0 : i32
      %dma_wait3A_376 = tpu.memref_slice %arg5[%dma_wait3A_366, %dma_wait3A_375] : memref<200x128xi32, #tpu.memory_space<vmem>> -> memref<1x128xi32, #tpu.memory_space<vmem>>
      %dma_wait3A_377 = tpu.memref_squeeze %dma_wait3A_376 : memref<1x128xi32, #tpu.memory_space<vmem>> -> memref<128xi32, #tpu.memory_space<vmem>>
      %dma_wait3A_378 = arith.constant 0 : i32
      %dma_wait3A_379 = arith.constant 0 : i32
      %dma_wait3A_380 = tpu.memref_slice %arg3[%dma_wait3A_378, %dma_wait3A_379] : memref<1000000x64xf32, #tpu.memory_space<hbm>> -> memref<1000000x64xf32, #tpu.memory_space<hbm>>
      tpu.wait_indirect_dma semaphore(%arg7 : memref<!tpu.dma_semaphore, #tpu.memory_space<semaphore_mem>>) src(%dma_wait3A_380 : memref<1000000x64xf32, #tpu.memory_space<hbm>>) dst(%dma_wait3A_374 : memref<128x64xf32, #tpu.memory_space<vmem>>)
      %dma_wait3A_381 = arith.constant 0 : i32
      %dma_wait3A_382 = arith.constant 0 : i32
      %dma_wait3A_383 = arith.constant 0 : i32
      %dma_wait3A_384 = arith.constant 0 : i32
      %dma_wait3A_385 = tpu.memref_slice %arg6[%dma_wait3A_382, %dma_wait3A_383, %dma_wait3A_384] : memref<2x640x64xf32, #tpu.memory_space<vmem>> -> memref<1x640x64xf32, #tpu.memory_space<vmem>>
      %dma_wait3A_386 = tpu.memref_squeeze %dma_wait3A_385 : memref<1x640x64xf32, #tpu.memory_space<vmem>> -> memref<640x64xf32, #tpu.memory_space<vmem>>
      %dma_wait3A_387 = arith.constant 0 : i32
      %dma_wait3A_388 = arith.constant 0 : i32
      %dma_wait3A_389 = tpu.memref_slice %dma_wait3A_386[%dma_wait3A_387, %dma_wait3A_388] : memref<640x64xf32, #tpu.memory_space<vmem>> -> memref<128x64xf32, #tpu.memory_space<vmem>>
      %dma_wait3A_390 = arith.constant 0 : i32
      %dma_wait3A_391 = tpu.memref_slice %arg5[%dma_wait3A_381, %dma_wait3A_390] : memref<200x128xi32, #tpu.memory_space<vmem>> -> memref<1x128xi32, #tpu.memory_space<vmem>>
      %dma_wait3A_392 = tpu.memref_squeeze %dma_wait3A_391 : memref<1x128xi32, #tpu.memory_space<vmem>> -> memref<128xi32, #tpu.memory_space<vmem>>
      %dma_wait3A_393 = arith.constant 0 : i32
      %dma_wait3A_394 = arith.constant 0 : i32
      %dma_wait3A_395 = tpu.memref_slice %arg3[%dma_wait3A_393, %dma_wait3A_394] : memref<1000000x64xf32, #tpu.memory_space<hbm>> -> memref<1000000x64xf32, #tpu.memory_space<hbm>>
      tpu.wait_indirect_dma semaphore(%arg7 : memref<!tpu.dma_semaphore, #tpu.memory_space<semaphore_mem>>) src(%dma_wait3A_395 : memref<1000000x64xf32, #tpu.memory_space<hbm>>) dst(%dma_wait3A_389 : memref<128x64xf32, #tpu.memory_space<vmem>>)
      %dma_wait3A_396 = arith.constant 0 : i32
      %dma_wait3A_397 = arith.constant 0 : i32
      %dma_wait3A_398 = arith.constant 0 : i32
      %dma_wait3A_399 = arith.constant 0 : i32
      %dma_wait3A_400 = tpu.memref_slice %arg6[%dma_wait3A_397, %dma_wait3A_398, %dma_wait3A_399] : memref<2x640x64xf32, #tpu.memory_space<vmem>> -> memref<1x640x64xf32, #tpu.memory_space<vmem>>
      %dma_wait3A_401 = tpu.memref_squeeze %dma_wait3A_400 : memref<1x640x64xf32, #tpu.memory_space<vmem>> -> memref<640x64xf32, #tpu.memory_space<vmem>>
      %dma_wait3A_402 = arith.constant 0 : i32
      %dma_wait3A_403 = arith.constant 0 : i32
      %dma_wait3A_404 = tpu.memref_slice %dma_wait3A_401[%dma_wait3A_402, %dma_wait3A_403] : memref<640x64xf32, #tpu.memory_space<vmem>> -> memref<128x64xf32, #tpu.memory_space<vmem>>
      %dma_wait3A_405 = arith.constant 0 : i32
      %dma_wait3A_406 = tpu.memref_slice %arg5[%dma_wait3A_396, %dma_wait3A_405] : memref<200x128xi32, #tpu.memory_space<vmem>> -> memref<1x128xi32, #tpu.memory_space<vmem>>
      %dma_wait3A_407 = tpu.memref_squeeze %dma_wait3A_406 : memref<1x128xi32, #tpu.memory_space<vmem>> -> memref<128xi32, #tpu.memory_space<vmem>>
      %dma_wait3A_408 = arith.constant 0 : i32
      %dma_wait3A_409 = arith.constant 0 : i32
      %dma_wait3A_410 = tpu.memref_slice %arg3[%dma_wait3A_408, %dma_wait3A_409] : memref<1000000x64xf32, #tpu.memory_space<hbm>> -> memref<1000000x64xf32, #tpu.memory_space<hbm>>
      tpu.wait_indirect_dma semaphore(%arg7 : memref<!tpu.dma_semaphore, #tpu.memory_space<semaphore_mem>>) src(%dma_wait3A_410 : memref<1000000x64xf32, #tpu.memory_space<hbm>>) dst(%dma_wait3A_404 : memref<128x64xf32, #tpu.memory_space<vmem>>)
      %mul3A_411 = arith.constant 640 : i32
      %mul3A_412 = arith.muli %sub3A_335, %mul3A_411 : i32
      %add3A_413 = arith.addi %multiple_of3A, %mul3A_412 : i32
      %multiple_of3A_414 = tpu.assume_multiple %add3A_413, 8 : i32
      %run_scoped3A_415 = arith.constant 0 : i32
      "tpu.region"() ({
        %run_scoped3A_682 = tpu.sem_alloc : memref<!tpu.dma_semaphore, #tpu.memory_space<semaphore_mem>>
        %dma_start3A_683 = arith.constant 0 : i32
        %dma_start3A_684 = arith.constant 0 : i32
        %dma_start3A_685 = tpu.memref_slice %arg6[%run_scoped3A_415, %dma_start3A_683, %dma_start3A_684] : memref<2x640x64xf32, #tpu.memory_space<vmem>> -> memref<1x640x64xf32, #tpu.memory_space<vmem>>
        %dma_start3A_686 = tpu.memref_squeeze %dma_start3A_685 : memref<1x640x64xf32, #tpu.memory_space<vmem>> -> memref<640x64xf32, #tpu.memory_space<vmem>>
        %dma_start3A_687 = arith.constant 0 : i32
        %dma_start3A_688 = tpu.memref_slice %arg4[%multiple_of3A_414, %dma_start3A_687] : memref<819200x64xf32, #tpu.memory_space<hbm>> -> memref<640x64xf32, #tpu.memory_space<hbm>>
        %dma_start3A_689 = arith.constant 0 : i32
        %dma_start3A_690 = tpu.memref_slice %arg4[%multiple_of3A_414, %dma_start3A_689] : memref<819200x64xf32, #tpu.memory_space<hbm>> -> memref<640x64xf32, #tpu.memory_space<hbm>>
        %dma_start3A_691 = arith.constant 0 : i32
        %dma_start3A_692 = arith.constant 0 : i32
        %dma_start3A_693 = tpu.memref_slice %arg6[%run_scoped3A_415, %dma_start3A_691, %dma_start3A_692] : memref<2x640x64xf32, #tpu.memory_space<vmem>> -> memref<1x640x64xf32, #tpu.memory_space<vmem>>
        %dma_start3A_694 = tpu.memref_squeeze %dma_start3A_693 : memref<1x640x64xf32, #tpu.memory_space<vmem>> -> memref<640x64xf32, #tpu.memory_space<vmem>>
        tpu.enqueue_dma source(%dma_start3A_694 : memref<640x64xf32, #tpu.memory_space<vmem>>) target(%dma_start3A_690 : memref<640x64xf32, #tpu.memory_space<hbm>>) target_semaphore(%run_scoped3A_682 : memref<!tpu.dma_semaphore, #tpu.memory_space<semaphore_mem>>)
        %dma_wait3A_695 = arith.constant 0 : i32
        %dma_wait3A_696 = arith.constant 0 : i32
        %dma_wait3A_697 = tpu.memref_slice %arg6[%run_scoped3A_415, %dma_wait3A_695, %dma_wait3A_696] : memref<2x640x64xf32, #tpu.memory_space<vmem>> -> memref<1x640x64xf32, #tpu.memory_space<vmem>>
        %dma_wait3A_698 = tpu.memref_squeeze %dma_wait3A_697 : memref<1x640x64xf32, #tpu.memory_space<vmem>> -> memref<640x64xf32, #tpu.memory_space<vmem>>
        %dma_wait3A_699 = arith.constant 0 : i32
        %dma_wait3A_700 = tpu.memref_slice %arg4[%multiple_of3A_414, %dma_wait3A_699] : memref<819200x64xf32, #tpu.memory_space<hbm>> -> memref<640x64xf32, #tpu.memory_space<hbm>>
        %dma_wait3A_701 = arith.constant 0 : i32
        %dma_wait3A_702 = tpu.memref_slice %arg4[%multiple_of3A_414, %dma_wait3A_701] : memref<819200x64xf32, #tpu.memory_space<hbm>> -> memref<640x64xf32, #tpu.memory_space<hbm>>
        %dma_wait3A_703 = arith.constant 0 : i32
        %dma_wait3A_704 = arith.constant 0 : i32
        %dma_wait3A_705 = tpu.memref_slice %arg6[%run_scoped3A_415, %dma_wait3A_703, %dma_wait3A_704] : memref<2x640x64xf32, #tpu.memory_space<vmem>> -> memref<1x640x64xf32, #tpu.memory_space<vmem>>
        %dma_wait3A_706 = tpu.memref_squeeze %dma_wait3A_705 : memref<1x640x64xf32, #tpu.memory_space<vmem>> -> memref<640x64xf32, #tpu.memory_space<vmem>>
        tpu.wait_dma2 semaphore(%run_scoped3A_682 : memref<!tpu.dma_semaphore, #tpu.memory_space<semaphore_mem>>) src(%dma_wait3A_706 : memref<640x64xf32, #tpu.memory_space<vmem>>) dst(%dma_wait3A_702 : memref<640x64xf32, #tpu.memory_space<hbm>>)
        tpu.yield
      }) : () -> ()
      %mul3A_416 = arith.constant 5 : i32
      %mul3A_417 = arith.muli %add3A_333, %mul3A_416 : i32
      %add3A_418 = arith.constant 0 : i32
      %add3A_419 = arith.addi %mul3A_417, %add3A_418 : i32
      %dma_start3A_420 = arith.constant 0 : i32
      %dma_start3A_421 = arith.constant 0 : i32
      %dma_start3A_422 = arith.constant 0 : i32
      %dma_start3A_423 = tpu.memref_slice %arg6[%dma_start3A_420, %dma_start3A_421, %dma_start3A_422] : memref<2x640x64xf32, #tpu.memory_space<vmem>> -> memref<1x640x64xf32, #tpu.memory_space<vmem>>
      %dma_start3A_424 = tpu.memref_squeeze %dma_start3A_423 : memref<1x640x64xf32, #tpu.memory_space<vmem>> -> memref<640x64xf32, #tpu.memory_space<vmem>>
      %dma_start3A_425 = arith.constant 0 : i32
      %dma_start3A_426 = arith.constant 0 : i32
      %dma_start3A_427 = tpu.memref_slice %dma_start3A_424[%dma_start3A_425, %dma_start3A_426] : memref<640x64xf32, #tpu.memory_space<vmem>> -> memref<128x64xf32, #tpu.memory_space<vmem>>
      %dma_start3A_428 = arith.constant 0 : i32
      %dma_start3A_429 = tpu.memref_slice %arg5[%add3A_419, %dma_start3A_428] : memref<200x128xi32, #tpu.memory_space<vmem>> -> memref<1x128xi32, #tpu.memory_space<vmem>>
      %dma_start3A_430 = tpu.memref_squeeze %dma_start3A_429 : memref<1x128xi32, #tpu.memory_space<vmem>> -> memref<128xi32, #tpu.memory_space<vmem>>
      %dma_start3A_431 = arith.constant 0 : i32
      %dma_start3A_432 = arith.constant 0 : i32
      %dma_start3A_433 = tpu.memref_slice %arg3[%dma_start3A_431, %dma_start3A_432] : memref<1000000x64xf32, #tpu.memory_space<hbm>> -> memref<1000000x64xf32, #tpu.memory_space<hbm>>
      tpu.enqueue_indirect_dma source(%dma_start3A_433 : memref<1000000x64xf32, #tpu.memory_space<hbm>>) target(%dma_start3A_427 : memref<128x64xf32, #tpu.memory_space<vmem>>) offsets(%dma_start3A_430 : memref<128xi32, #tpu.memory_space<vmem>>) semaphore(%arg7 : memref<!tpu.dma_semaphore, #tpu.memory_space<semaphore_mem>>)
      %mul3A_434 = arith.constant 5 : i32
      %mul3A_435 = arith.muli %add3A_333, %mul3A_434 : i32
      %add3A_436 = arith.constant 1 : i32
      %add3A_437 = arith.addi %mul3A_435, %add3A_436 : i32
      %dma_start3A_438 = arith.constant 0 : i32
      %dma_start3A_439 = arith.constant 0 : i32
      %dma_start3A_440 = arith.constant 0 : i32
      %dma_start3A_441 = tpu.memref_slice %arg6[%dma_start3A_438, %dma_start3A_439, %dma_start3A_440] : memref<2x640x64xf32, #tpu.memory_space<vmem>> -> memref<1x640x64xf32, #tpu.memory_space<vmem>>
      %dma_start3A_442 = tpu.memref_squeeze %dma_start3A_441 : memref<1x640x64xf32, #tpu.memory_space<vmem>> -> memref<640x64xf32, #tpu.memory_space<vmem>>
      %dma_start3A_443 = arith.constant 128 : i32
      %dma_start3A_444 = arith.constant 0 : i32
      %dma_start3A_445 = tpu.memref_slice %dma_start3A_442[%dma_start3A_443, %dma_start3A_444] : memref<640x64xf32, #tpu.memory_space<vmem>> -> memref<128x64xf32, #tpu.memory_space<vmem>>
      %dma_start3A_446 = arith.constant 0 : i32
      %dma_start3A_447 = tpu.memref_slice %arg5[%add3A_437, %dma_start3A_446] : memref<200x128xi32, #tpu.memory_space<vmem>> -> memref<1x128xi32, #tpu.memory_space<vmem>>
      %dma_start3A_448 = tpu.memref_squeeze %dma_start3A_447 : memref<1x128xi32, #tpu.memory_space<vmem>> -> memref<128xi32, #tpu.memory_space<vmem>>
      %dma_start3A_449 = arith.constant 0 : i32
      %dma_start3A_450 = arith.constant 0 : i32
      %dma_start3A_451 = tpu.memref_slice %arg3[%dma_start3A_449, %dma_start3A_450] : memref<1000000x64xf32, #tpu.memory_space<hbm>> -> memref<1000000x64xf32, #tpu.memory_space<hbm>>
      tpu.enqueue_indirect_dma source(%dma_start3A_451 : memref<1000000x64xf32, #tpu.memory_space<hbm>>) target(%dma_start3A_445 : memref<128x64xf32, #tpu.memory_space<vmem>>) offsets(%dma_start3A_448 : memref<128xi32, #tpu.memory_space<vmem>>) semaphore(%arg7 : memref<!tpu.dma_semaphore, #tpu.memory_space<semaphore_mem>>)
      %mul3A_452 = arith.constant 5 : i32
      %mul3A_453 = arith.muli %add3A_333, %mul3A_452 : i32
      %add3A_454 = arith.constant 2 : i32
      %add3A_455 = arith.addi %mul3A_453, %add3A_454 : i32
      %dma_start3A_456 = arith.constant 0 : i32
      %dma_start3A_457 = arith.constant 0 : i32
      %dma_start3A_458 = arith.constant 0 : i32
      %dma_start3A_459 = tpu.memref_slice %arg6[%dma_start3A_456, %dma_start3A_457, %dma_start3A_458] : memref<2x640x64xf32, #tpu.memory_space<vmem>> -> memref<1x640x64xf32, #tpu.memory_space<vmem>>
      %dma_start3A_460 = tpu.memref_squeeze %dma_start3A_459 : memref<1x640x64xf32, #tpu.memory_space<vmem>> -> memref<640x64xf32, #tpu.memory_space<vmem>>
      %dma_start3A_461 = arith.constant 256 : i32
      %dma_start3A_462 = arith.constant 0 : i32
      %dma_start3A_463 = tpu.memref_slice %dma_start3A_460[%dma_start3A_461, %dma_start3A_462] : memref<640x64xf32, #tpu.memory_space<vmem>> -> memref<128x64xf32, #tpu.memory_space<vmem>>
      %dma_start3A_464 = arith.constant 0 : i32
      %dma_start3A_465 = tpu.memref_slice %arg5[%add3A_455, %dma_start3A_464] : memref<200x128xi32, #tpu.memory_space<vmem>> -> memref<1x128xi32, #tpu.memory_space<vmem>>
      %dma_start3A_466 = tpu.memref_squeeze %dma_start3A_465 : memref<1x128xi32, #tpu.memory_space<vmem>> -> memref<128xi32, #tpu.memory_space<vmem>>
      %dma_start3A_467 = arith.constant 0 : i32
      %dma_start3A_468 = arith.constant 0 : i32
      %dma_start3A_469 = tpu.memref_slice %arg3[%dma_start3A_467, %dma_start3A_468] : memref<1000000x64xf32, #tpu.memory_space<hbm>> -> memref<1000000x64xf32, #tpu.memory_space<hbm>>
      tpu.enqueue_indirect_dma source(%dma_start3A_469 : memref<1000000x64xf32, #tpu.memory_space<hbm>>) target(%dma_start3A_463 : memref<128x64xf32, #tpu.memory_space<vmem>>) offsets(%dma_start3A_466 : memref<128xi32, #tpu.memory_space<vmem>>) semaphore(%arg7 : memref<!tpu.dma_semaphore, #tpu.memory_space<semaphore_mem>>)
      %mul3A_470 = arith.constant 5 : i32
      %mul3A_471 = arith.muli %add3A_333, %mul3A_470 : i32
      %add3A_472 = arith.constant 3 : i32
      %add3A_473 = arith.addi %mul3A_471, %add3A_472 : i32
      %dma_start3A_474 = arith.constant 0 : i32
      %dma_start3A_475 = arith.constant 0 : i32
      %dma_start3A_476 = arith.constant 0 : i32
      %dma_start3A_477 = tpu.memref_slice %arg6[%dma_start3A_474, %dma_start3A_475, %dma_start3A_476] : memref<2x640x64xf32, #tpu.memory_space<vmem>> -> memref<1x640x64xf32, #tpu.memory_space<vmem>>
      %dma_start3A_478 = tpu.memref_squeeze %dma_start3A_477 : memref<1x640x64xf32, #tpu.memory_space<vmem>> -> memref<640x64xf32, #tpu.memory_space<vmem>>
      %dma_start3A_479 = arith.constant 384 : i32
      %dma_start3A_480 = arith.constant 0 : i32
      %dma_start3A_481 = tpu.memref_slice %dma_start3A_478[%dma_start3A_479, %dma_start3A_480] : memref<640x64xf32, #tpu.memory_space<vmem>> -> memref<128x64xf32, #tpu.memory_space<vmem>>
      %dma_start3A_482 = arith.constant 0 : i32
      %dma_start3A_483 = tpu.memref_slice %arg5[%add3A_473, %dma_start3A_482] : memref<200x128xi32, #tpu.memory_space<vmem>> -> memref<1x128xi32, #tpu.memory_space<vmem>>
      %dma_start3A_484 = tpu.memref_squeeze %dma_start3A_483 : memref<1x128xi32, #tpu.memory_space<vmem>> -> memref<128xi32, #tpu.memory_space<vmem>>
      %dma_start3A_485 = arith.constant 0 : i32
      %dma_start3A_486 = arith.constant 0 : i32
      %dma_start3A_487 = tpu.memref_slice %arg3[%dma_start3A_485, %dma_start3A_486] : memref<1000000x64xf32, #tpu.memory_space<hbm>> -> memref<1000000x64xf32, #tpu.memory_space<hbm>>
      tpu.enqueue_indirect_dma source(%dma_start3A_487 : memref<1000000x64xf32, #tpu.memory_space<hbm>>) target(%dma_start3A_481 : memref<128x64xf32, #tpu.memory_space<vmem>>) offsets(%dma_start3A_484 : memref<128xi32, #tpu.memory_space<vmem>>) semaphore(%arg7 : memref<!tpu.dma_semaphore, #tpu.memory_space<semaphore_mem>>)
      %mul3A_488 = arith.constant 5 : i32
      %mul3A_489 = arith.muli %add3A_333, %mul3A_488 : i32
      %add3A_490 = arith.constant 4 : i32
      %add3A_491 = arith.addi %mul3A_489, %add3A_490 : i32
      %dma_start3A_492 = arith.constant 0 : i32
      %dma_start3A_493 = arith.constant 0 : i32
      %dma_start3A_494 = arith.constant 0 : i32
      %dma_start3A_495 = tpu.memref_slice %arg6[%dma_start3A_492, %dma_start3A_493, %dma_start3A_494] : memref<2x640x64xf32, #tpu.memory_space<vmem>> -> memref<1x640x64xf32, #tpu.memory_space<vmem>>
      %dma_start3A_496 = tpu.memref_squeeze %dma_start3A_495 : memref<1x640x64xf32, #tpu.memory_space<vmem>> -> memref<640x64xf32, #tpu.memory_space<vmem>>
      %dma_start3A_497 = arith.constant 512 : i32
      %dma_start3A_498 = arith.constant 0 : i32
      %dma_start3A_499 = tpu.memref_slice %dma_start3A_496[%dma_start3A_497, %dma_start3A_498] : memref<640x64xf32, #tpu.memory_space<vmem>> -> memref<128x64xf32, #tpu.memory_space<vmem>>
      %dma_start3A_500 = arith.constant 0 : i32
      %dma_start3A_501 = tpu.memref_slice %arg5[%add3A_491, %dma_start3A_500] : memref<200x128xi32, #tpu.memory_space<vmem>> -> memref<1x128xi32, #tpu.memory_space<vmem>>
      %dma_start3A_502 = tpu.memref_squeeze %dma_start3A_501 : memref<1x128xi32, #tpu.memory_space<vmem>> -> memref<128xi32, #tpu.memory_space<vmem>>
      %dma_start3A_503 = arith.constant 0 : i32
      %dma_start3A_504 = arith.constant 0 : i32
      %dma_start3A_505 = tpu.memref_slice %arg3[%dma_start3A_503, %dma_start3A_504] : memref<1000000x64xf32, #tpu.memory_space<hbm>> -> memref<1000000x64xf32, #tpu.memory_space<hbm>>
      tpu.enqueue_indirect_dma source(%dma_start3A_505 : memref<1000000x64xf32, #tpu.memory_space<hbm>>) target(%dma_start3A_499 : memref<128x64xf32, #tpu.memory_space<vmem>>) offsets(%dma_start3A_502 : memref<128xi32, #tpu.memory_space<vmem>>) semaphore(%arg7 : memref<!tpu.dma_semaphore, #tpu.memory_space<semaphore_mem>>)
      %mul3A_506 = arith.constant 2 : i32
      %mul3A_507 = arith.muli %scan3A_329, %mul3A_506 : i32
      %add3A_508 = arith.constant 1 : i32
      %add3A_509 = arith.addi %mul3A_507, %add3A_508 : i32
      %sub3A_510 = arith.constant 2 : i32
      %sub3A_511 = arith.subi %add3A_509, %sub3A_510 : i32
      %dma_wait3A_512 = arith.constant 0 : i32
      %dma_wait3A_513 = arith.constant 1 : i32
      %dma_wait3A_514 = arith.constant 0 : i32
      %dma_wait3A_515 = arith.constant 0 : i32
      %dma_wait3A_516 = tpu.memref_slice %arg6[%dma_wait3A_513, %dma_wait3A_514, %dma_wait3A_515] : memref<2x640x64xf32, #tpu.memory_space<vmem>> -> memref<1x640x64xf32, #tpu.memory_space<vmem>>
      %dma_wait3A_517 = tpu.memref_squeeze %dma_wait3A_516 : memref<1x640x64xf32, #tpu.memory_space<vmem>> -> memref<640x64xf32, #tpu.memory_space<vmem>>
      %dma_wait3A_518 = arith.constant 0 : i32
      %dma_wait3A_519 = arith.constant 0 : i32
      %dma_wait3A_520 = tpu.memref_slice %dma_wait3A_517[%dma_wait3A_518, %dma_wait3A_519] : memref<640x64xf32, #tpu.memory_space<vmem>> -> memref<128x64xf32, #tpu.memory_space<vmem>>
      %dma_wait3A_521 = arith.constant 0 : i32
      %dma_wait3A_522 = tpu.memref_slice %arg5[%dma_wait3A_512, %dma_wait3A_521] : memref<200x128xi32, #tpu.memory_space<vmem>> -> memref<1x128xi32, #tpu.memory_space<vmem>>
      %dma_wait3A_523 = tpu.memref_squeeze %dma_wait3A_522 : memref<1x128xi32, #tpu.memory_space<vmem>> -> memref<128xi32, #tpu.memory_space<vmem>>
      %dma_wait3A_524 = arith.constant 0 : i32
      %dma_wait3A_525 = arith.constant 0 : i32
      %dma_wait3A_526 = tpu.memref_slice %arg3[%dma_wait3A_524, %dma_wait3A_525] : memref<1000000x64xf32, #tpu.memory_space<hbm>> -> memref<1000000x64xf32, #tpu.memory_space<hbm>>
      tpu.wait_indirect_dma semaphore(%arg8 : memref<!tpu.dma_semaphore, #tpu.memory_space<semaphore_mem>>) src(%dma_wait3A_526 : memref<1000000x64xf32, #tpu.memory_space<hbm>>) dst(%dma_wait3A_520 : memref<128x64xf32, #tpu.memory_space<vmem>>)
      %dma_wait3A_527 = arith.constant 0 : i32
      %dma_wait3A_528 = arith.constant 1 : i32
      %dma_wait3A_529 = arith.constant 0 : i32
      %dma_wait3A_530 = arith.constant 0 : i32
      %dma_wait3A_531 = tpu.memref_slice %arg6[%dma_wait3A_528, %dma_wait3A_529, %dma_wait3A_530] : memref<2x640x64xf32, #tpu.memory_space<vmem>> -> memref<1x640x64xf32, #tpu.memory_space<vmem>>
      %dma_wait3A_532 = tpu.memref_squeeze %dma_wait3A_531 : memref<1x640x64xf32, #tpu.memory_space<vmem>> -> memref<640x64xf32, #tpu.memory_space<vmem>>
      %dma_wait3A_533 = arith.constant 0 : i32
      %dma_wait3A_534 = arith.constant 0 : i32
      %dma_wait3A_535 = tpu.memref_slice %dma_wait3A_532[%dma_wait3A_533, %dma_wait3A_534] : memref<640x64xf32, #tpu.memory_space<vmem>> -> memref<128x64xf32, #tpu.memory_space<vmem>>
      %dma_wait3A_536 = arith.constant 0 : i32
      %dma_wait3A_537 = tpu.memref_slice %arg5[%dma_wait3A_527, %dma_wait3A_536] : memref<200x128xi32, #tpu.memory_space<vmem>> -> memref<1x128xi32, #tpu.memory_space<vmem>>
      %dma_wait3A_538 = tpu.memref_squeeze %dma_wait3A_537 : memref<1x128xi32, #tpu.memory_space<vmem>> -> memref<128xi32, #tpu.memory_space<vmem>>
      %dma_wait3A_539 = arith.constant 0 : i32
      %dma_wait3A_540 = arith.constant 0 : i32
      %dma_wait3A_541 = tpu.memref_slice %arg3[%dma_wait3A_539, %dma_wait3A_540] : memref<1000000x64xf32, #tpu.memory_space<hbm>> -> memref<1000000x64xf32, #tpu.memory_space<hbm>>
      tpu.wait_indirect_dma semaphore(%arg8 : memref<!tpu.dma_semaphore, #tpu.memory_space<semaphore_mem>>) src(%dma_wait3A_541 : memref<1000000x64xf32, #tpu.memory_space<hbm>>) dst(%dma_wait3A_535 : memref<128x64xf32, #tpu.memory_space<vmem>>)
      %dma_wait3A_542 = arith.constant 0 : i32
      %dma_wait3A_543 = arith.constant 1 : i32
      %dma_wait3A_544 = arith.constant 0 : i32
      %dma_wait3A_545 = arith.constant 0 : i32
      %dma_wait3A_546 = tpu.memref_slice %arg6[%dma_wait3A_543, %dma_wait3A_544, %dma_wait3A_545] : memref<2x640x64xf32, #tpu.memory_space<vmem>> -> memref<1x640x64xf32, #tpu.memory_space<vmem>>
      %dma_wait3A_547 = tpu.memref_squeeze %dma_wait3A_546 : memref<1x640x64xf32, #tpu.memory_space<vmem>> -> memref<640x64xf32, #tpu.memory_space<vmem>>
      %dma_wait3A_548 = arith.constant 0 : i32
      %dma_wait3A_549 = arith.constant 0 : i32
      %dma_wait3A_550 = tpu.memref_slice %dma_wait3A_547[%dma_wait3A_548, %dma_wait3A_549] : memref<640x64xf32, #tpu.memory_space<vmem>> -> memref<128x64xf32, #tpu.memory_space<vmem>>
      %dma_wait3A_551 = arith.constant 0 : i32
      %dma_wait3A_552 = tpu.memref_slice %arg5[%dma_wait3A_542, %dma_wait3A_551] : memref<200x128xi32, #tpu.memory_space<vmem>> -> memref<1x128xi32, #tpu.memory_space<vmem>>
      %dma_wait3A_553 = tpu.memref_squeeze %dma_wait3A_552 : memref<1x128xi32, #tpu.memory_space<vmem>> -> memref<128xi32, #tpu.memory_space<vmem>>
      %dma_wait3A_554 = arith.constant 0 : i32
      %dma_wait3A_555 = arith.constant 0 : i32
      %dma_wait3A_556 = tpu.memref_slice %arg3[%dma_wait3A_554, %dma_wait3A_555] : memref<1000000x64xf32, #tpu.memory_space<hbm>> -> memref<1000000x64xf32, #tpu.memory_space<hbm>>
      tpu.wait_indirect_dma semaphore(%arg8 : memref<!tpu.dma_semaphore, #tpu.memory_space<semaphore_mem>>) src(%dma_wait3A_556 : memref<1000000x64xf32, #tpu.memory_space<hbm>>) dst(%dma_wait3A_550 : memref<128x64xf32, #tpu.memory_space<vmem>>)
      %dma_wait3A_557 = arith.constant 0 : i32
      %dma_wait3A_558 = arith.constant 1 : i32
      %dma_wait3A_559 = arith.constant 0 : i32
      %dma_wait3A_560 = arith.constant 0 : i32
      %dma_wait3A_561 = tpu.memref_slice %arg6[%dma_wait3A_558, %dma_wait3A_559, %dma_wait3A_560] : memref<2x640x64xf32, #tpu.memory_space<vmem>> -> memref<1x640x64xf32, #tpu.memory_space<vmem>>
      %dma_wait3A_562 = tpu.memref_squeeze %dma_wait3A_561 : memref<1x640x64xf32, #tpu.memory_space<vmem>> -> memref<640x64xf32, #tpu.memory_space<vmem>>
      %dma_wait3A_563 = arith.constant 0 : i32
      %dma_wait3A_564 = arith.constant 0 : i32
      %dma_wait3A_565 = tpu.memref_slice %dma_wait3A_562[%dma_wait3A_563, %dma_wait3A_564] : memref<640x64xf32, #tpu.memory_space<vmem>> -> memref<128x64xf32, #tpu.memory_space<vmem>>
      %dma_wait3A_566 = arith.constant 0 : i32
      %dma_wait3A_567 = tpu.memref_slice %arg5[%dma_wait3A_557, %dma_wait3A_566] : memref<200x128xi32, #tpu.memory_space<vmem>> -> memref<1x128xi32, #tpu.memory_space<vmem>>
      %dma_wait3A_568 = tpu.memref_squeeze %dma_wait3A_567 : memref<1x128xi32, #tpu.memory_space<vmem>> -> memref<128xi32, #tpu.memory_space<vmem>>
      %dma_wait3A_569 = arith.constant 0 : i32
      %dma_wait3A_570 = arith.constant 0 : i32
      %dma_wait3A_571 = tpu.memref_slice %arg3[%dma_wait3A_569, %dma_wait3A_570] : memref<1000000x64xf32, #tpu.memory_space<hbm>> -> memref<1000000x64xf32, #tpu.memory_space<hbm>>
      tpu.wait_indirect_dma semaphore(%arg8 : memref<!tpu.dma_semaphore, #tpu.memory_space<semaphore_mem>>) src(%dma_wait3A_571 : memref<1000000x64xf32, #tpu.memory_space<hbm>>) dst(%dma_wait3A_565 : memref<128x64xf32, #tpu.memory_space<vmem>>)
      %dma_wait3A_572 = arith.constant 0 : i32
      %dma_wait3A_573 = arith.constant 1 : i32
      %dma_wait3A_574 = arith.constant 0 : i32
      %dma_wait3A_575 = arith.constant 0 : i32
      %dma_wait3A_576 = tpu.memref_slice %arg6[%dma_wait3A_573, %dma_wait3A_574, %dma_wait3A_575] : memref<2x640x64xf32, #tpu.memory_space<vmem>> -> memref<1x640x64xf32, #tpu.memory_space<vmem>>
      %dma_wait3A_577 = tpu.memref_squeeze %dma_wait3A_576 : memref<1x640x64xf32, #tpu.memory_space<vmem>> -> memref<640x64xf32, #tpu.memory_space<vmem>>
      %dma_wait3A_578 = arith.constant 0 : i32
      %dma_wait3A_579 = arith.constant 0 : i32
      %dma_wait3A_580 = tpu.memref_slice %dma_wait3A_577[%dma_wait3A_578, %dma_wait3A_579] : memref<640x64xf32, #tpu.memory_space<vmem>> -> memref<128x64xf32, #tpu.memory_space<vmem>>
      %dma_wait3A_581 = arith.constant 0 : i32
      %dma_wait3A_582 = tpu.memref_slice %arg5[%dma_wait3A_572, %dma_wait3A_581] : memref<200x128xi32, #tpu.memory_space<vmem>> -> memref<1x128xi32, #tpu.memory_space<vmem>>
      %dma_wait3A_583 = tpu.memref_squeeze %dma_wait3A_582 : memref<1x128xi32, #tpu.memory_space<vmem>> -> memref<128xi32, #tpu.memory_space<vmem>>
      %dma_wait3A_584 = arith.constant 0 : i32
      %dma_wait3A_585 = arith.constant 0 : i32
      %dma_wait3A_586 = tpu.memref_slice %arg3[%dma_wait3A_584, %dma_wait3A_585] : memref<1000000x64xf32, #tpu.memory_space<hbm>> -> memref<1000000x64xf32, #tpu.memory_space<hbm>>
      tpu.wait_indirect_dma semaphore(%arg8 : memref<!tpu.dma_semaphore, #tpu.memory_space<semaphore_mem>>) src(%dma_wait3A_586 : memref<1000000x64xf32, #tpu.memory_space<hbm>>) dst(%dma_wait3A_580 : memref<128x64xf32, #tpu.memory_space<vmem>>)
      %mul3A_587 = arith.constant 640 : i32
      %mul3A_588 = arith.muli %sub3A_511, %mul3A_587 : i32
      %add3A_589 = arith.addi %multiple_of3A, %mul3A_588 : i32
      %multiple_of3A_590 = tpu.assume_multiple %add3A_589, 8 : i32
      %run_scoped3A_591 = arith.constant 1 : i32
      "tpu.region"() ({
        %run_scoped3A_682 = tpu.sem_alloc : memref<!tpu.dma_semaphore, #tpu.memory_space<semaphore_mem>>
        %dma_start3A_683 = arith.constant 0 : i32
        %dma_start3A_684 = arith.constant 0 : i32
        %dma_start3A_685 = tpu.memref_slice %arg6[%run_scoped3A_591, %dma_start3A_683, %dma_start3A_684] : memref<2x640x64xf32, #tpu.memory_space<vmem>> -> memref<1x640x64xf32, #tpu.memory_space<vmem>>
        %dma_start3A_686 = tpu.memref_squeeze %dma_start3A_685 : memref<1x640x64xf32, #tpu.memory_space<vmem>> -> memref<640x64xf32, #tpu.memory_space<vmem>>
        %dma_start3A_687 = arith.constant 0 : i32
        %dma_start3A_688 = tpu.memref_slice %arg4[%multiple_of3A_590, %dma_start3A_687] : memref<819200x64xf32, #tpu.memory_space<hbm>> -> memref<640x64xf32, #tpu.memory_space<hbm>>
        %dma_start3A_689 = arith.constant 0 : i32
        %dma_start3A_690 = tpu.memref_slice %arg4[%multiple_of3A_590, %dma_start3A_689] : memref<819200x64xf32, #tpu.memory_space<hbm>> -> memref<640x64xf32, #tpu.memory_space<hbm>>
        %dma_start3A_691 = arith.constant 0 : i32
        %dma_start3A_692 = arith.constant 0 : i32
        %dma_start3A_693 = tpu.memref_slice %arg6[%run_scoped3A_591, %dma_start3A_691, %dma_start3A_692] : memref<2x640x64xf32, #tpu.memory_space<vmem>> -> memref<1x640x64xf32, #tpu.memory_space<vmem>>
        %dma_start3A_694 = tpu.memref_squeeze %dma_start3A_693 : memref<1x640x64xf32, #tpu.memory_space<vmem>> -> memref<640x64xf32, #tpu.memory_space<vmem>>
        tpu.enqueue_dma source(%dma_start3A_694 : memref<640x64xf32, #tpu.memory_space<vmem>>) target(%dma_start3A_690 : memref<640x64xf32, #tpu.memory_space<hbm>>) target_semaphore(%run_scoped3A_682 : memref<!tpu.dma_semaphore, #tpu.memory_space<semaphore_mem>>)
        %dma_wait3A_695 = arith.constant 0 : i32
        %dma_wait3A_696 = arith.constant 0 : i32
        %dma_wait3A_697 = tpu.memref_slice %arg6[%run_scoped3A_591, %dma_wait3A_695, %dma_wait3A_696] : memref<2x640x64xf32, #tpu.memory_space<vmem>> -> memref<1x640x64xf32, #tpu.memory_space<vmem>>
        %dma_wait3A_698 = tpu.memref_squeeze %dma_wait3A_697 : memref<1x640x64xf32, #tpu.memory_space<vmem>> -> memref<640x64xf32, #tpu.memory_space<vmem>>
        %dma_wait3A_699 = arith.constant 0 : i32
        %dma_wait3A_700 = tpu.memref_slice %arg4[%multiple_of3A_590, %dma_wait3A_699] : memref<819200x64xf32, #tpu.memory_space<hbm>> -> memref<640x64xf32, #tpu.memory_space<hbm>>
        %dma_wait3A_701 = arith.constant 0 : i32
        %dma_wait3A_702 = tpu.memref_slice %arg4[%multiple_of3A_590, %dma_wait3A_701] : memref<819200x64xf32, #tpu.memory_space<hbm>> -> memref<640x64xf32, #tpu.memory_space<hbm>>
        %dma_wait3A_703 = arith.constant 0 : i32
        %dma_wait3A_704 = arith.constant 0 : i32
        %dma_wait3A_705 = tpu.memref_slice %arg6[%run_scoped3A_591, %dma_wait3A_703, %dma_wait3A_704] : memref<2x640x64xf32, #tpu.memory_space<vmem>> -> memref<1x640x64xf32, #tpu.memory_space<vmem>>
        %dma_wait3A_706 = tpu.memref_squeeze %dma_wait3A_705 : memref<1x640x64xf32, #tpu.memory_space<vmem>> -> memref<640x64xf32, #tpu.memory_space<vmem>>
        tpu.wait_dma2 semaphore(%run_scoped3A_682 : memref<!tpu.dma_semaphore, #tpu.memory_space<semaphore_mem>>) src(%dma_wait3A_706 : memref<640x64xf32, #tpu.memory_space<vmem>>) dst(%dma_wait3A_702 : memref<640x64xf32, #tpu.memory_space<hbm>>)
        tpu.yield
      }) : () -> ()
      %mul3A_592 = arith.constant 5 : i32
      %mul3A_593 = arith.muli %add3A_509, %mul3A_592 : i32
      %add3A_594 = arith.constant 0 : i32
      %add3A_595 = arith.addi %mul3A_593, %add3A_594 : i32
      %dma_start3A_596 = arith.constant 1 : i32
      %dma_start3A_597 = arith.constant 0 : i32
      %dma_start3A_598 = arith.constant 0 : i32
      %dma_start3A_599 = tpu.memref_slice %arg6[%dma_start3A_596, %dma_start3A_597, %dma_start3A_598] : memref<2x640x64xf32, #tpu.memory_space<vmem>> -> memref<1x640x64xf32, #tpu.memory_space<vmem>>
      %dma_start3A_600 = tpu.memref_squeeze %dma_start3A_599 : memref<1x640x64xf32, #tpu.memory_space<vmem>> -> memref<640x64xf32, #tpu.memory_space<vmem>>
      %dma_start3A_601 = arith.constant 0 : i32
      %dma_start3A_602 = arith.constant 0 : i32
      %dma_start3A_603 = tpu.memref_slice %dma_start3A_600[%dma_start3A_601, %dma_start3A_602] : memref<640x64xf32, #tpu.memory_space<vmem>> -> memref<128x64xf32, #tpu.memory_space<vmem>>
      %dma_start3A_604 = arith.constant 0 : i32
      %dma_start3A_605 = tpu.memref_slice %arg5[%add3A_595, %dma_start3A_604] : memref<200x128xi32, #tpu.memory_space<vmem>> -> memref<1x128xi32, #tpu.memory_space<vmem>>
      %dma_start3A_606 = tpu.memref_squeeze %dma_start3A_605 : memref<1x128xi32, #tpu.memory_space<vmem>> -> memref<128xi32, #tpu.memory_space<vmem>>
      %dma_start3A_607 = arith.constant 0 : i32
      %dma_start3A_608 = arith.constant 0 : i32
      %dma_start3A_609 = tpu.memref_slice %arg3[%dma_start3A_607, %dma_start3A_608] : memref<1000000x64xf32, #tpu.memory_space<hbm>> -> memref<1000000x64xf32, #tpu.memory_space<hbm>>
      tpu.enqueue_indirect_dma source(%dma_start3A_609 : memref<1000000x64xf32, #tpu.memory_space<hbm>>) target(%dma_start3A_603 : memref<128x64xf32, #tpu.memory_space<vmem>>) offsets(%dma_start3A_606 : memref<128xi32, #tpu.memory_space<vmem>>) semaphore(%arg8 : memref<!tpu.dma_semaphore, #tpu.memory_space<semaphore_mem>>)
      %mul3A_610 = arith.constant 5 : i32
      %mul3A_611 = arith.muli %add3A_509, %mul3A_610 : i32
      %add3A_612 = arith.constant 1 : i32
      %add3A_613 = arith.addi %mul3A_611, %add3A_612 : i32
      %dma_start3A_614 = arith.constant 1 : i32
      %dma_start3A_615 = arith.constant 0 : i32
      %dma_start3A_616 = arith.constant 0 : i32
      %dma_start3A_617 = tpu.memref_slice %arg6[%dma_start3A_614, %dma_start3A_615, %dma_start3A_616] : memref<2x640x64xf32, #tpu.memory_space<vmem>> -> memref<1x640x64xf32, #tpu.memory_space<vmem>>
      %dma_start3A_618 = tpu.memref_squeeze %dma_start3A_617 : memref<1x640x64xf32, #tpu.memory_space<vmem>> -> memref<640x64xf32, #tpu.memory_space<vmem>>
      %dma_start3A_619 = arith.constant 128 : i32
      %dma_start3A_620 = arith.constant 0 : i32
      %dma_start3A_621 = tpu.memref_slice %dma_start3A_618[%dma_start3A_619, %dma_start3A_620] : memref<640x64xf32, #tpu.memory_space<vmem>> -> memref<128x64xf32, #tpu.memory_space<vmem>>
      %dma_start3A_622 = arith.constant 0 : i32
      %dma_start3A_623 = tpu.memref_slice %arg5[%add3A_613, %dma_start3A_622] : memref<200x128xi32, #tpu.memory_space<vmem>> -> memref<1x128xi32, #tpu.memory_space<vmem>>
      %dma_start3A_624 = tpu.memref_squeeze %dma_start3A_623 : memref<1x128xi32, #tpu.memory_space<vmem>> -> memref<128xi32, #tpu.memory_space<vmem>>
      %dma_start3A_625 = arith.constant 0 : i32
      %dma_start3A_626 = arith.constant 0 : i32
      %dma_start3A_627 = tpu.memref_slice %arg3[%dma_start3A_625, %dma_start3A_626] : memref<1000000x64xf32, #tpu.memory_space<hbm>> -> memref<1000000x64xf32, #tpu.memory_space<hbm>>
      tpu.enqueue_indirect_dma source(%dma_start3A_627 : memref<1000000x64xf32, #tpu.memory_space<hbm>>) target(%dma_start3A_621 : memref<128x64xf32, #tpu.memory_space<vmem>>) offsets(%dma_start3A_624 : memref<128xi32, #tpu.memory_space<vmem>>) semaphore(%arg8 : memref<!tpu.dma_semaphore, #tpu.memory_space<semaphore_mem>>)
      %mul3A_628 = arith.constant 5 : i32
      %mul3A_629 = arith.muli %add3A_509, %mul3A_628 : i32
      %add3A_630 = arith.constant 2 : i32
      %add3A_631 = arith.addi %mul3A_629, %add3A_630 : i32
      %dma_start3A_632 = arith.constant 1 : i32
      %dma_start3A_633 = arith.constant 0 : i32
      %dma_start3A_634 = arith.constant 0 : i32
      %dma_start3A_635 = tpu.memref_slice %arg6[%dma_start3A_632, %dma_start3A_633, %dma_start3A_634] : memref<2x640x64xf32, #tpu.memory_space<vmem>> -> memref<1x640x64xf32, #tpu.memory_space<vmem>>
      %dma_start3A_636 = tpu.memref_squeeze %dma_start3A_635 : memref<1x640x64xf32, #tpu.memory_space<vmem>> -> memref<640x64xf32, #tpu.memory_space<vmem>>
      %dma_start3A_637 = arith.constant 256 : i32
      %dma_start3A_638 = arith.constant 0 : i32
      %dma_start3A_639 = tpu.memref_slice %dma_start3A_636[%dma_start3A_637, %dma_start3A_638] : memref<640x64xf32, #tpu.memory_space<vmem>> -> memref<128x64xf32, #tpu.memory_space<vmem>>
      %dma_start3A_640 = arith.constant 0 : i32
      %dma_start3A_641 = tpu.memref_slice %arg5[%add3A_631, %dma_start3A_640] : memref<200x128xi32, #tpu.memory_space<vmem>> -> memref<1x128xi32, #tpu.memory_space<vmem>>
      %dma_start3A_642 = tpu.memref_squeeze %dma_start3A_641 : memref<1x128xi32, #tpu.memory_space<vmem>> -> memref<128xi32, #tpu.memory_space<vmem>>
      %dma_start3A_643 = arith.constant 0 : i32
      %dma_start3A_644 = arith.constant 0 : i32
      %dma_start3A_645 = tpu.memref_slice %arg3[%dma_start3A_643, %dma_start3A_644] : memref<1000000x64xf32, #tpu.memory_space<hbm>> -> memref<1000000x64xf32, #tpu.memory_space<hbm>>
      tpu.enqueue_indirect_dma source(%dma_start3A_645 : memref<1000000x64xf32, #tpu.memory_space<hbm>>) target(%dma_start3A_639 : memref<128x64xf32, #tpu.memory_space<vmem>>) offsets(%dma_start3A_642 : memref<128xi32, #tpu.memory_space<vmem>>) semaphore(%arg8 : memref<!tpu.dma_semaphore, #tpu.memory_space<semaphore_mem>>)
      %mul3A_646 = arith.constant 5 : i32
      %mul3A_647 = arith.muli %add3A_509, %mul3A_646 : i32
      %add3A_648 = arith.constant 3 : i32
      %add3A_649 = arith.addi %mul3A_647, %add3A_648 : i32
      %dma_start3A_650 = arith.constant 1 : i32
      %dma_start3A_651 = arith.constant 0 : i32
      %dma_start3A_652 = arith.constant 0 : i32
      %dma_start3A_653 = tpu.memref_slice %arg6[%dma_start3A_650, %dma_start3A_651, %dma_start3A_652] : memref<2x640x64xf32, #tpu.memory_space<vmem>> -> memref<1x640x64xf32, #tpu.memory_space<vmem>>
      %dma_start3A_654 = tpu.memref_squeeze %dma_start3A_653 : memref<1x640x64xf32, #tpu.memory_space<vmem>> -> memref<640x64xf32, #tpu.memory_space<vmem>>
      %dma_start3A_655 = arith.constant 384 : i32
      %dma_start3A_656 = arith.constant 0 : i32
      %dma_start3A_657 = tpu.memref_slice %dma_start3A_654[%dma_start3A_655, %dma_start3A_656] : memref<640x64xf32, #tpu.memory_space<vmem>> -> memref<128x64xf32, #tpu.memory_space<vmem>>
      %dma_start3A_658 = arith.constant 0 : i32
      %dma_start3A_659 = tpu.memref_slice %arg5[%add3A_649, %dma_start3A_658] : memref<200x128xi32, #tpu.memory_space<vmem>> -> memref<1x128xi32, #tpu.memory_space<vmem>>
      %dma_start3A_660 = tpu.memref_squeeze %dma_start3A_659 : memref<1x128xi32, #tpu.memory_space<vmem>> -> memref<128xi32, #tpu.memory_space<vmem>>
      %dma_start3A_661 = arith.constant 0 : i32
      %dma_start3A_662 = arith.constant 0 : i32
      %dma_start3A_663 = tpu.memref_slice %arg3[%dma_start3A_661, %dma_start3A_662] : memref<1000000x64xf32, #tpu.memory_space<hbm>> -> memref<1000000x64xf32, #tpu.memory_space<hbm>>
      tpu.enqueue_indirect_dma source(%dma_start3A_663 : memref<1000000x64xf32, #tpu.memory_space<hbm>>) target(%dma_start3A_657 : memref<128x64xf32, #tpu.memory_space<vmem>>) offsets(%dma_start3A_660 : memref<128xi32, #tpu.memory_space<vmem>>) semaphore(%arg8 : memref<!tpu.dma_semaphore, #tpu.memory_space<semaphore_mem>>)
      %mul3A_664 = arith.constant 5 : i32
      %mul3A_665 = arith.muli %add3A_509, %mul3A_664 : i32
      %add3A_666 = arith.constant 4 : i32
      %add3A_667 = arith.addi %mul3A_665, %add3A_666 : i32
      %dma_start3A_668 = arith.constant 1 : i32
      %dma_start3A_669 = arith.constant 0 : i32
      %dma_start3A_670 = arith.constant 0 : i32
      %dma_start3A_671 = tpu.memref_slice %arg6[%dma_start3A_668, %dma_start3A_669, %dma_start3A_670] : memref<2x640x64xf32, #tpu.memory_space<vmem>> -> memref<1x640x64xf32, #tpu.memory_space<vmem>>
      %dma_start3A_672 = tpu.memref_squeeze %dma_start3A_671 : memref<1x640x64xf32, #tpu.memory_space<vmem>> -> memref<640x64xf32, #tpu.memory_space<vmem>>
      %dma_start3A_673 = arith.constant 512 : i32
      %dma_start3A_674 = arith.constant 0 : i32
      %dma_start3A_675 = tpu.memref_slice %dma_start3A_672[%dma_start3A_673, %dma_start3A_674] : memref<640x64xf32, #tpu.memory_space<vmem>> -> memref<128x64xf32, #tpu.memory_space<vmem>>
      %dma_start3A_676 = arith.constant 0 : i32
      %dma_start3A_677 = tpu.memref_slice %arg5[%add3A_667, %dma_start3A_676] : memref<200x128xi32, #tpu.memory_space<vmem>> -> memref<1x128xi32, #tpu.memory_space<vmem>>
      %dma_start3A_678 = tpu.memref_squeeze %dma_start3A_677 : memref<1x128xi32, #tpu.memory_space<vmem>> -> memref<128xi32, #tpu.memory_space<vmem>>
      %dma_start3A_679 = arith.constant 0 : i32
      %dma_start3A_680 = arith.constant 0 : i32
      %dma_start3A_681 = tpu.memref_slice %arg3[%dma_start3A_679, %dma_start3A_680] : memref<1000000x64xf32, #tpu.memory_space<hbm>> -> memref<1000000x64xf32, #tpu.memory_space<hbm>>
      tpu.enqueue_indirect_dma source(%dma_start3A_681 : memref<1000000x64xf32, #tpu.memory_space<hbm>>) target(%dma_start3A_675 : memref<128x64xf32, #tpu.memory_space<vmem>>) offsets(%dma_start3A_678 : memref<128xi32, #tpu.memory_space<vmem>>) semaphore(%arg8 : memref<!tpu.dma_semaphore, #tpu.memory_space<semaphore_mem>>)
    }
    %scan3A_172 = arith.constant 19 : i32
    %dma_wait3A = arith.constant 0 : i32
    %dma_wait3A_173 = arith.constant 0 : i32
    %dma_wait3A_174 = arith.constant 0 : i32
    %dma_wait3A_175 = arith.constant 0 : i32
    %dma_wait3A_176 = tpu.memref_slice %arg6[%dma_wait3A_173, %dma_wait3A_174, %dma_wait3A_175] : memref<2x640x64xf32, #tpu.memory_space<vmem>> -> memref<1x640x64xf32, #tpu.memory_space<vmem>>
    %dma_wait3A_177 = tpu.memref_squeeze %dma_wait3A_176 : memref<1x640x64xf32, #tpu.memory_space<vmem>> -> memref<640x64xf32, #tpu.memory_space<vmem>>
    %dma_wait3A_178 = arith.constant 0 : i32
    %dma_wait3A_179 = arith.constant 0 : i32
    %dma_wait3A_180 = tpu.memref_slice %dma_wait3A_177[%dma_wait3A_178, %dma_wait3A_179] : memref<640x64xf32, #tpu.memory_space<vmem>> -> memref<128x64xf32, #tpu.memory_space<vmem>>
    %dma_wait3A_181 = arith.constant 0 : i32
    %dma_wait3A_182 = tpu.memref_slice %arg5[%dma_wait3A, %dma_wait3A_181] : memref<200x128xi32, #tpu.memory_space<vmem>> -> memref<1x128xi32, #tpu.memory_space<vmem>>
    %dma_wait3A_183 = tpu.memref_squeeze %dma_wait3A_182 : memref<1x128xi32, #tpu.memory_space<vmem>> -> memref<128xi32, #tpu.memory_space<vmem>>
    %dma_wait3A_184 = arith.constant 0 : i32
    %dma_wait3A_185 = arith.constant 0 : i32
    %dma_wait3A_186 = tpu.memref_slice %arg3[%dma_wait3A_184, %dma_wait3A_185] : memref<1000000x64xf32, #tpu.memory_space<hbm>> -> memref<1000000x64xf32, #tpu.memory_space<hbm>>
    tpu.wait_indirect_dma semaphore(%arg7 : memref<!tpu.dma_semaphore, #tpu.memory_space<semaphore_mem>>) src(%dma_wait3A_186 : memref<1000000x64xf32, #tpu.memory_space<hbm>>) dst(%dma_wait3A_180 : memref<128x64xf32, #tpu.memory_space<vmem>>)
    %dma_wait3A_187 = arith.constant 0 : i32
    %dma_wait3A_188 = arith.constant 0 : i32
    %dma_wait3A_189 = arith.constant 0 : i32
    %dma_wait3A_190 = arith.constant 0 : i32
    %dma_wait3A_191 = tpu.memref_slice %arg6[%dma_wait3A_188, %dma_wait3A_189, %dma_wait3A_190] : memref<2x640x64xf32, #tpu.memory_space<vmem>> -> memref<1x640x64xf32, #tpu.memory_space<vmem>>
    %dma_wait3A_192 = tpu.memref_squeeze %dma_wait3A_191 : memref<1x640x64xf32, #tpu.memory_space<vmem>> -> memref<640x64xf32, #tpu.memory_space<vmem>>
    %dma_wait3A_193 = arith.constant 0 : i32
    %dma_wait3A_194 = arith.constant 0 : i32
    %dma_wait3A_195 = tpu.memref_slice %dma_wait3A_192[%dma_wait3A_193, %dma_wait3A_194] : memref<640x64xf32, #tpu.memory_space<vmem>> -> memref<128x64xf32, #tpu.memory_space<vmem>>
    %dma_wait3A_196 = arith.constant 0 : i32
    %dma_wait3A_197 = tpu.memref_slice %arg5[%dma_wait3A_187, %dma_wait3A_196] : memref<200x128xi32, #tpu.memory_space<vmem>> -> memref<1x128xi32, #tpu.memory_space<vmem>>
    %dma_wait3A_198 = tpu.memref_squeeze %dma_wait3A_197 : memref<1x128xi32, #tpu.memory_space<vmem>> -> memref<128xi32, #tpu.memory_space<vmem>>
    %dma_wait3A_199 = arith.constant 0 : i32
    %dma_wait3A_200 = arith.constant 0 : i32
    %dma_wait3A_201 = tpu.memref_slice %arg3[%dma_wait3A_199, %dma_wait3A_200] : memref<1000000x64xf32, #tpu.memory_space<hbm>> -> memref<1000000x64xf32, #tpu.memory_space<hbm>>
    tpu.wait_indirect_dma semaphore(%arg7 : memref<!tpu.dma_semaphore, #tpu.memory_space<semaphore_mem>>) src(%dma_wait3A_201 : memref<1000000x64xf32, #tpu.memory_space<hbm>>) dst(%dma_wait3A_195 : memref<128x64xf32, #tpu.memory_space<vmem>>)
    %dma_wait3A_202 = arith.constant 0 : i32
    %dma_wait3A_203 = arith.constant 0 : i32
    %dma_wait3A_204 = arith.constant 0 : i32
    %dma_wait3A_205 = arith.constant 0 : i32
    %dma_wait3A_206 = tpu.memref_slice %arg6[%dma_wait3A_203, %dma_wait3A_204, %dma_wait3A_205] : memref<2x640x64xf32, #tpu.memory_space<vmem>> -> memref<1x640x64xf32, #tpu.memory_space<vmem>>
    %dma_wait3A_207 = tpu.memref_squeeze %dma_wait3A_206 : memref<1x640x64xf32, #tpu.memory_space<vmem>> -> memref<640x64xf32, #tpu.memory_space<vmem>>
    %dma_wait3A_208 = arith.constant 0 : i32
    %dma_wait3A_209 = arith.constant 0 : i32
    %dma_wait3A_210 = tpu.memref_slice %dma_wait3A_207[%dma_wait3A_208, %dma_wait3A_209] : memref<640x64xf32, #tpu.memory_space<vmem>> -> memref<128x64xf32, #tpu.memory_space<vmem>>
    %dma_wait3A_211 = arith.constant 0 : i32
    %dma_wait3A_212 = tpu.memref_slice %arg5[%dma_wait3A_202, %dma_wait3A_211] : memref<200x128xi32, #tpu.memory_space<vmem>> -> memref<1x128xi32, #tpu.memory_space<vmem>>
    %dma_wait3A_213 = tpu.memref_squeeze %dma_wait3A_212 : memref<1x128xi32, #tpu.memory_space<vmem>> -> memref<128xi32, #tpu.memory_space<vmem>>
    %dma_wait3A_214 = arith.constant 0 : i32
    %dma_wait3A_215 = arith.constant 0 : i32
    %dma_wait3A_216 = tpu.memref_slice %arg3[%dma_wait3A_214, %dma_wait3A_215] : memref<1000000x64xf32, #tpu.memory_space<hbm>> -> memref<1000000x64xf32, #tpu.memory_space<hbm>>
    tpu.wait_indirect_dma semaphore(%arg7 : memref<!tpu.dma_semaphore, #tpu.memory_space<semaphore_mem>>) src(%dma_wait3A_216 : memref<1000000x64xf32, #tpu.memory_space<hbm>>) dst(%dma_wait3A_210 : memref<128x64xf32, #tpu.memory_space<vmem>>)
    %dma_wait3A_217 = arith.constant 0 : i32
    %dma_wait3A_218 = arith.constant 0 : i32
    %dma_wait3A_219 = arith.constant 0 : i32
    %dma_wait3A_220 = arith.constant 0 : i32
    %dma_wait3A_221 = tpu.memref_slice %arg6[%dma_wait3A_218, %dma_wait3A_219, %dma_wait3A_220] : memref<2x640x64xf32, #tpu.memory_space<vmem>> -> memref<1x640x64xf32, #tpu.memory_space<vmem>>
    %dma_wait3A_222 = tpu.memref_squeeze %dma_wait3A_221 : memref<1x640x64xf32, #tpu.memory_space<vmem>> -> memref<640x64xf32, #tpu.memory_space<vmem>>
    %dma_wait3A_223 = arith.constant 0 : i32
    %dma_wait3A_224 = arith.constant 0 : i32
    %dma_wait3A_225 = tpu.memref_slice %dma_wait3A_222[%dma_wait3A_223, %dma_wait3A_224] : memref<640x64xf32, #tpu.memory_space<vmem>> -> memref<128x64xf32, #tpu.memory_space<vmem>>
    %dma_wait3A_226 = arith.constant 0 : i32
    %dma_wait3A_227 = tpu.memref_slice %arg5[%dma_wait3A_217, %dma_wait3A_226] : memref<200x128xi32, #tpu.memory_space<vmem>> -> memref<1x128xi32, #tpu.memory_space<vmem>>
    %dma_wait3A_228 = tpu.memref_squeeze %dma_wait3A_227 : memref<1x128xi32, #tpu.memory_space<vmem>> -> memref<128xi32, #tpu.memory_space<vmem>>
    %dma_wait3A_229 = arith.constant 0 : i32
    %dma_wait3A_230 = arith.constant 0 : i32
    %dma_wait3A_231 = tpu.memref_slice %arg3[%dma_wait3A_229, %dma_wait3A_230] : memref<1000000x64xf32, #tpu.memory_space<hbm>> -> memref<1000000x64xf32, #tpu.memory_space<hbm>>
    tpu.wait_indirect_dma semaphore(%arg7 : memref<!tpu.dma_semaphore, #tpu.memory_space<semaphore_mem>>) src(%dma_wait3A_231 : memref<1000000x64xf32, #tpu.memory_space<hbm>>) dst(%dma_wait3A_225 : memref<128x64xf32, #tpu.memory_space<vmem>>)
    %dma_wait3A_232 = arith.constant 0 : i32
    %dma_wait3A_233 = arith.constant 0 : i32
    %dma_wait3A_234 = arith.constant 0 : i32
    %dma_wait3A_235 = arith.constant 0 : i32
    %dma_wait3A_236 = tpu.memref_slice %arg6[%dma_wait3A_233, %dma_wait3A_234, %dma_wait3A_235] : memref<2x640x64xf32, #tpu.memory_space<vmem>> -> memref<1x640x64xf32, #tpu.memory_space<vmem>>
    %dma_wait3A_237 = tpu.memref_squeeze %dma_wait3A_236 : memref<1x640x64xf32, #tpu.memory_space<vmem>> -> memref<640x64xf32, #tpu.memory_space<vmem>>
    %dma_wait3A_238 = arith.constant 0 : i32
    %dma_wait3A_239 = arith.constant 0 : i32
    %dma_wait3A_240 = tpu.memref_slice %dma_wait3A_237[%dma_wait3A_238, %dma_wait3A_239] : memref<640x64xf32, #tpu.memory_space<vmem>> -> memref<128x64xf32, #tpu.memory_space<vmem>>
    %dma_wait3A_241 = arith.constant 0 : i32
    %dma_wait3A_242 = tpu.memref_slice %arg5[%dma_wait3A_232, %dma_wait3A_241] : memref<200x128xi32, #tpu.memory_space<vmem>> -> memref<1x128xi32, #tpu.memory_space<vmem>>
    %dma_wait3A_243 = tpu.memref_squeeze %dma_wait3A_242 : memref<1x128xi32, #tpu.memory_space<vmem>> -> memref<128xi32, #tpu.memory_space<vmem>>
    %dma_wait3A_244 = arith.constant 0 : i32
    %dma_wait3A_245 = arith.constant 0 : i32
    %dma_wait3A_246 = tpu.memref_slice %arg3[%dma_wait3A_244, %dma_wait3A_245] : memref<1000000x64xf32, #tpu.memory_space<hbm>> -> memref<1000000x64xf32, #tpu.memory_space<hbm>>
    tpu.wait_indirect_dma semaphore(%arg7 : memref<!tpu.dma_semaphore, #tpu.memory_space<semaphore_mem>>) src(%dma_wait3A_246 : memref<1000000x64xf32, #tpu.memory_space<hbm>>) dst(%dma_wait3A_240 : memref<128x64xf32, #tpu.memory_space<vmem>>)
    %add3A_247 = arith.constant 24320 : i32
    %add3A_248 = arith.addi %multiple_of3A, %add3A_247 : i32
    %multiple_of3A_249 = tpu.assume_multiple %add3A_248, 8 : i32
    %run_scoped3A = arith.constant 0 : i32
    "tpu.region"() ({
      %run_scoped3A_329 = tpu.sem_alloc : memref<!tpu.dma_semaphore, #tpu.memory_space<semaphore_mem>>
      %dma_start3A_330 = arith.constant 0 : i32
      %dma_start3A_331 = arith.constant 0 : i32
      %dma_start3A_332 = tpu.memref_slice %arg6[%run_scoped3A, %dma_start3A_330, %dma_start3A_331] : memref<2x640x64xf32, #tpu.memory_space<vmem>> -> memref<1x640x64xf32, #tpu.memory_space<vmem>>
      %dma_start3A_333 = tpu.memref_squeeze %dma_start3A_332 : memref<1x640x64xf32, #tpu.memory_space<vmem>> -> memref<640x64xf32, #tpu.memory_space<vmem>>
      %dma_start3A_334 = arith.constant 0 : i32
      %dma_start3A_335 = tpu.memref_slice %arg4[%multiple_of3A_249, %dma_start3A_334] : memref<819200x64xf32, #tpu.memory_space<hbm>> -> memref<640x64xf32, #tpu.memory_space<hbm>>
      %dma_start3A_336 = arith.constant 0 : i32
      %dma_start3A_337 = tpu.memref_slice %arg4[%multiple_of3A_249, %dma_start3A_336] : memref<819200x64xf32, #tpu.memory_space<hbm>> -> memref<640x64xf32, #tpu.memory_space<hbm>>
      %dma_start3A_338 = arith.constant 0 : i32
      %dma_start3A_339 = arith.constant 0 : i32
      %dma_start3A_340 = tpu.memref_slice %arg6[%run_scoped3A, %dma_start3A_338, %dma_start3A_339] : memref<2x640x64xf32, #tpu.memory_space<vmem>> -> memref<1x640x64xf32, #tpu.memory_space<vmem>>
      %dma_start3A_341 = tpu.memref_squeeze %dma_start3A_340 : memref<1x640x64xf32, #tpu.memory_space<vmem>> -> memref<640x64xf32, #tpu.memory_space<vmem>>
      tpu.enqueue_dma source(%dma_start3A_341 : memref<640x64xf32, #tpu.memory_space<vmem>>) target(%dma_start3A_337 : memref<640x64xf32, #tpu.memory_space<hbm>>) target_semaphore(%run_scoped3A_329 : memref<!tpu.dma_semaphore, #tpu.memory_space<semaphore_mem>>)
      %dma_wait3A_342 = arith.constant 0 : i32
      %dma_wait3A_343 = arith.constant 0 : i32
      %dma_wait3A_344 = tpu.memref_slice %arg6[%run_scoped3A, %dma_wait3A_342, %dma_wait3A_343] : memref<2x640x64xf32, #tpu.memory_space<vmem>> -> memref<1x640x64xf32, #tpu.memory_space<vmem>>
      %dma_wait3A_345 = tpu.memref_squeeze %dma_wait3A_344 : memref<1x640x64xf32, #tpu.memory_space<vmem>> -> memref<640x64xf32, #tpu.memory_space<vmem>>
      %dma_wait3A_346 = arith.constant 0 : i32
      %dma_wait3A_347 = tpu.memref_slice %arg4[%multiple_of3A_249, %dma_wait3A_346] : memref<819200x64xf32, #tpu.memory_space<hbm>> -> memref<640x64xf32, #tpu.memory_space<hbm>>
      %dma_wait3A_348 = arith.constant 0 : i32
      %dma_wait3A_349 = tpu.memref_slice %arg4[%multiple_of3A_249, %dma_wait3A_348] : memref<819200x64xf32, #tpu.memory_space<hbm>> -> memref<640x64xf32, #tpu.memory_space<hbm>>
      %dma_wait3A_350 = arith.constant 0 : i32
      %dma_wait3A_351 = arith.constant 0 : i32
      %dma_wait3A_352 = tpu.memref_slice %arg6[%run_scoped3A, %dma_wait3A_350, %dma_wait3A_351] : memref<2x640x64xf32, #tpu.memory_space<vmem>> -> memref<1x640x64xf32, #tpu.memory_space<vmem>>
      %dma_wait3A_353 = tpu.memref_squeeze %dma_wait3A_352 : memref<1x640x64xf32, #tpu.memory_space<vmem>> -> memref<640x64xf32, #tpu.memory_space<vmem>>
      tpu.wait_dma2 semaphore(%run_scoped3A_329 : memref<!tpu.dma_semaphore, #tpu.memory_space<semaphore_mem>>) src(%dma_wait3A_353 : memref<640x64xf32, #tpu.memory_space<vmem>>) dst(%dma_wait3A_349 : memref<640x64xf32, #tpu.memory_space<hbm>>)
      tpu.yield
    }) : () -> ()
    %dma_wait3A_250 = arith.constant 0 : i32
    %dma_wait3A_251 = arith.constant 1 : i32
    %dma_wait3A_252 = arith.constant 0 : i32
    %dma_wait3A_253 = arith.constant 0 : i32
    %dma_wait3A_254 = tpu.memref_slice %arg6[%dma_wait3A_251, %dma_wait3A_252, %dma_wait3A_253] : memref<2x640x64xf32, #tpu.memory_space<vmem>> -> memref<1x640x64xf32, #tpu.memory_space<vmem>>
    %dma_wait3A_255 = tpu.memref_squeeze %dma_wait3A_254 : memref<1x640x64xf32, #tpu.memory_space<vmem>> -> memref<640x64xf32, #tpu.memory_space<vmem>>
    %dma_wait3A_256 = arith.constant 0 : i32
    %dma_wait3A_257 = arith.constant 0 : i32
    %dma_wait3A_258 = tpu.memref_slice %dma_wait3A_255[%dma_wait3A_256, %dma_wait3A_257] : memref<640x64xf32, #tpu.memory_space<vmem>> -> memref<128x64xf32, #tpu.memory_space<vmem>>
    %dma_wait3A_259 = arith.constant 0 : i32
    %dma_wait3A_260 = tpu.memref_slice %arg5[%dma_wait3A_250, %dma_wait3A_259] : memref<200x128xi32, #tpu.memory_space<vmem>> -> memref<1x128xi32, #tpu.memory_space<vmem>>
    %dma_wait3A_261 = tpu.memref_squeeze %dma_wait3A_260 : memref<1x128xi32, #tpu.memory_space<vmem>> -> memref<128xi32, #tpu.memory_space<vmem>>
    %dma_wait3A_262 = arith.constant 0 : i32
    %dma_wait3A_263 = arith.constant 0 : i32
    %dma_wait3A_264 = tpu.memref_slice %arg3[%dma_wait3A_262, %dma_wait3A_263] : memref<1000000x64xf32, #tpu.memory_space<hbm>> -> memref<1000000x64xf32, #tpu.memory_space<hbm>>
    tpu.wait_indirect_dma semaphore(%arg8 : memref<!tpu.dma_semaphore, #tpu.memory_space<semaphore_mem>>) src(%dma_wait3A_264 : memref<1000000x64xf32, #tpu.memory_space<hbm>>) dst(%dma_wait3A_258 : memref<128x64xf32, #tpu.memory_space<vmem>>)
    %dma_wait3A_265 = arith.constant 0 : i32
    %dma_wait3A_266 = arith.constant 1 : i32
    %dma_wait3A_267 = arith.constant 0 : i32
    %dma_wait3A_268 = arith.constant 0 : i32
    %dma_wait3A_269 = tpu.memref_slice %arg6[%dma_wait3A_266, %dma_wait3A_267, %dma_wait3A_268] : memref<2x640x64xf32, #tpu.memory_space<vmem>> -> memref<1x640x64xf32, #tpu.memory_space<vmem>>
    %dma_wait3A_270 = tpu.memref_squeeze %dma_wait3A_269 : memref<1x640x64xf32, #tpu.memory_space<vmem>> -> memref<640x64xf32, #tpu.memory_space<vmem>>
    %dma_wait3A_271 = arith.constant 0 : i32
    %dma_wait3A_272 = arith.constant 0 : i32
    %dma_wait3A_273 = tpu.memref_slice %dma_wait3A_270[%dma_wait3A_271, %dma_wait3A_272] : memref<640x64xf32, #tpu.memory_space<vmem>> -> memref<128x64xf32, #tpu.memory_space<vmem>>
    %dma_wait3A_274 = arith.constant 0 : i32
    %dma_wait3A_275 = tpu.memref_slice %arg5[%dma_wait3A_265, %dma_wait3A_274] : memref<200x128xi32, #tpu.memory_space<vmem>> -> memref<1x128xi32, #tpu.memory_space<vmem>>
    %dma_wait3A_276 = tpu.memref_squeeze %dma_wait3A_275 : memref<1x128xi32, #tpu.memory_space<vmem>> -> memref<128xi32, #tpu.memory_space<vmem>>
    %dma_wait3A_277 = arith.constant 0 : i32
    %dma_wait3A_278 = arith.constant 0 : i32
    %dma_wait3A_279 = tpu.memref_slice %arg3[%dma_wait3A_277, %dma_wait3A_278] : memref<1000000x64xf32, #tpu.memory_space<hbm>> -> memref<1000000x64xf32, #tpu.memory_space<hbm>>
    tpu.wait_indirect_dma semaphore(%arg8 : memref<!tpu.dma_semaphore, #tpu.memory_space<semaphore_mem>>) src(%dma_wait3A_279 : memref<1000000x64xf32, #tpu.memory_space<hbm>>) dst(%dma_wait3A_273 : memref<128x64xf32, #tpu.memory_space<vmem>>)
    %dma_wait3A_280 = arith.constant 0 : i32
    %dma_wait3A_281 = arith.constant 1 : i32
    %dma_wait3A_282 = arith.constant 0 : i32
    %dma_wait3A_283 = arith.constant 0 : i32
    %dma_wait3A_284 = tpu.memref_slice %arg6[%dma_wait3A_281, %dma_wait3A_282, %dma_wait3A_283] : memref<2x640x64xf32, #tpu.memory_space<vmem>> -> memref<1x640x64xf32, #tpu.memory_space<vmem>>
    %dma_wait3A_285 = tpu.memref_squeeze %dma_wait3A_284 : memref<1x640x64xf32, #tpu.memory_space<vmem>> -> memref<640x64xf32, #tpu.memory_space<vmem>>
    %dma_wait3A_286 = arith.constant 0 : i32
    %dma_wait3A_287 = arith.constant 0 : i32
    %dma_wait3A_288 = tpu.memref_slice %dma_wait3A_285[%dma_wait3A_286, %dma_wait3A_287] : memref<640x64xf32, #tpu.memory_space<vmem>> -> memref<128x64xf32, #tpu.memory_space<vmem>>
    %dma_wait3A_289 = arith.constant 0 : i32
    %dma_wait3A_290 = tpu.memref_slice %arg5[%dma_wait3A_280, %dma_wait3A_289] : memref<200x128xi32, #tpu.memory_space<vmem>> -> memref<1x128xi32, #tpu.memory_space<vmem>>
    %dma_wait3A_291 = tpu.memref_squeeze %dma_wait3A_290 : memref<1x128xi32, #tpu.memory_space<vmem>> -> memref<128xi32, #tpu.memory_space<vmem>>
    %dma_wait3A_292 = arith.constant 0 : i32
    %dma_wait3A_293 = arith.constant 0 : i32
    %dma_wait3A_294 = tpu.memref_slice %arg3[%dma_wait3A_292, %dma_wait3A_293] : memref<1000000x64xf32, #tpu.memory_space<hbm>> -> memref<1000000x64xf32, #tpu.memory_space<hbm>>
    tpu.wait_indirect_dma semaphore(%arg8 : memref<!tpu.dma_semaphore, #tpu.memory_space<semaphore_mem>>) src(%dma_wait3A_294 : memref<1000000x64xf32, #tpu.memory_space<hbm>>) dst(%dma_wait3A_288 : memref<128x64xf32, #tpu.memory_space<vmem>>)
    %dma_wait3A_295 = arith.constant 0 : i32
    %dma_wait3A_296 = arith.constant 1 : i32
    %dma_wait3A_297 = arith.constant 0 : i32
    %dma_wait3A_298 = arith.constant 0 : i32
    %dma_wait3A_299 = tpu.memref_slice %arg6[%dma_wait3A_296, %dma_wait3A_297, %dma_wait3A_298] : memref<2x640x64xf32, #tpu.memory_space<vmem>> -> memref<1x640x64xf32, #tpu.memory_space<vmem>>
    %dma_wait3A_300 = tpu.memref_squeeze %dma_wait3A_299 : memref<1x640x64xf32, #tpu.memory_space<vmem>> -> memref<640x64xf32, #tpu.memory_space<vmem>>
    %dma_wait3A_301 = arith.constant 0 : i32
    %dma_wait3A_302 = arith.constant 0 : i32
    %dma_wait3A_303 = tpu.memref_slice %dma_wait3A_300[%dma_wait3A_301, %dma_wait3A_302] : memref<640x64xf32, #tpu.memory_space<vmem>> -> memref<128x64xf32, #tpu.memory_space<vmem>>
    %dma_wait3A_304 = arith.constant 0 : i32
    %dma_wait3A_305 = tpu.memref_slice %arg5[%dma_wait3A_295, %dma_wait3A_304] : memref<200x128xi32, #tpu.memory_space<vmem>> -> memref<1x128xi32, #tpu.memory_space<vmem>>
    %dma_wait3A_306 = tpu.memref_squeeze %dma_wait3A_305 : memref<1x128xi32, #tpu.memory_space<vmem>> -> memref<128xi32, #tpu.memory_space<vmem>>
    %dma_wait3A_307 = arith.constant 0 : i32
    %dma_wait3A_308 = arith.constant 0 : i32
    %dma_wait3A_309 = tpu.memref_slice %arg3[%dma_wait3A_307, %dma_wait3A_308] : memref<1000000x64xf32, #tpu.memory_space<hbm>> -> memref<1000000x64xf32, #tpu.memory_space<hbm>>
    tpu.wait_indirect_dma semaphore(%arg8 : memref<!tpu.dma_semaphore, #tpu.memory_space<semaphore_mem>>) src(%dma_wait3A_309 : memref<1000000x64xf32, #tpu.memory_space<hbm>>) dst(%dma_wait3A_303 : memref<128x64xf32, #tpu.memory_space<vmem>>)
    %dma_wait3A_310 = arith.constant 0 : i32
    %dma_wait3A_311 = arith.constant 1 : i32
    %dma_wait3A_312 = arith.constant 0 : i32
    %dma_wait3A_313 = arith.constant 0 : i32
    %dma_wait3A_314 = tpu.memref_slice %arg6[%dma_wait3A_311, %dma_wait3A_312, %dma_wait3A_313] : memref<2x640x64xf32, #tpu.memory_space<vmem>> -> memref<1x640x64xf32, #tpu.memory_space<vmem>>
    %dma_wait3A_315 = tpu.memref_squeeze %dma_wait3A_314 : memref<1x640x64xf32, #tpu.memory_space<vmem>> -> memref<640x64xf32, #tpu.memory_space<vmem>>
    %dma_wait3A_316 = arith.constant 0 : i32
    %dma_wait3A_317 = arith.constant 0 : i32
    %dma_wait3A_318 = tpu.memref_slice %dma_wait3A_315[%dma_wait3A_316, %dma_wait3A_317] : memref<640x64xf32, #tpu.memory_space<vmem>> -> memref<128x64xf32, #tpu.memory_space<vmem>>
    %dma_wait3A_319 = arith.constant 0 : i32
    %dma_wait3A_320 = tpu.memref_slice %arg5[%dma_wait3A_310, %dma_wait3A_319] : memref<200x128xi32, #tpu.memory_space<vmem>> -> memref<1x128xi32, #tpu.memory_space<vmem>>
    %dma_wait3A_321 = tpu.memref_squeeze %dma_wait3A_320 : memref<1x128xi32, #tpu.memory_space<vmem>> -> memref<128xi32, #tpu.memory_space<vmem>>
    %dma_wait3A_322 = arith.constant 0 : i32
    %dma_wait3A_323 = arith.constant 0 : i32
    %dma_wait3A_324 = tpu.memref_slice %arg3[%dma_wait3A_322, %dma_wait3A_323] : memref<1000000x64xf32, #tpu.memory_space<hbm>> -> memref<1000000x64xf32, #tpu.memory_space<hbm>>
    tpu.wait_indirect_dma semaphore(%arg8 : memref<!tpu.dma_semaphore, #tpu.memory_space<semaphore_mem>>) src(%dma_wait3A_324 : memref<1000000x64xf32, #tpu.memory_space<hbm>>) dst(%dma_wait3A_318 : memref<128x64xf32, #tpu.memory_space<vmem>>)
    %add3A_325 = arith.constant 24960 : i32
    %add3A_326 = arith.addi %multiple_of3A, %add3A_325 : i32
    %multiple_of3A_327 = tpu.assume_multiple %add3A_326, 8 : i32
    %run_scoped3A_328 = arith.constant 1 : i32
    "tpu.region"() ({
      %run_scoped3A_329 = tpu.sem_alloc : memref<!tpu.dma_semaphore, #tpu.memory_space<semaphore_mem>>
      %dma_start3A_330 = arith.constant 0 : i32
      %dma_start3A_331 = arith.constant 0 : i32
      %dma_start3A_332 = tpu.memref_slice %arg6[%run_scoped3A_328, %dma_start3A_330, %dma_start3A_331] : memref<2x640x64xf32, #tpu.memory_space<vmem>> -> memref<1x640x64xf32, #tpu.memory_space<vmem>>
      %dma_start3A_333 = tpu.memref_squeeze %dma_start3A_332 : memref<1x640x64xf32, #tpu.memory_space<vmem>> -> memref<640x64xf32, #tpu.memory_space<vmem>>
      %dma_start3A_334 = arith.constant 0 : i32
      %dma_start3A_335 = tpu.memref_slice %arg4[%multiple_of3A_327, %dma_start3A_334] : memref<819200x64xf32, #tpu.memory_space<hbm>> -> memref<640x64xf32, #tpu.memory_space<hbm>>
      %dma_start3A_336 = arith.constant 0 : i32
      %dma_start3A_337 = tpu.memref_slice %arg4[%multiple_of3A_327, %dma_start3A_336] : memref<819200x64xf32, #tpu.memory_space<hbm>> -> memref<640x64xf32, #tpu.memory_space<hbm>>
      %dma_start3A_338 = arith.constant 0 : i32
      %dma_start3A_339 = arith.constant 0 : i32
      %dma_start3A_340 = tpu.memref_slice %arg6[%run_scoped3A_328, %dma_start3A_338, %dma_start3A_339] : memref<2x640x64xf32, #tpu.memory_space<vmem>> -> memref<1x640x64xf32, #tpu.memory_space<vmem>>
      %dma_start3A_341 = tpu.memref_squeeze %dma_start3A_340 : memref<1x640x64xf32, #tpu.memory_space<vmem>> -> memref<640x64xf32, #tpu.memory_space<vmem>>
      tpu.enqueue_dma source(%dma_start3A_341 : memref<640x64xf32, #tpu.memory_space<vmem>>) target(%dma_start3A_337 : memref<640x64xf32, #tpu.memory_space<hbm>>) target_semaphore(%run_scoped3A_329 : memref<!tpu.dma_semaphore, #tpu.memory_space<semaphore_mem>>)
      %dma_wait3A_342 = arith.constant 0 : i32
      %dma_wait3A_343 = arith.constant 0 : i32
      %dma_wait3A_344 = tpu.memref_slice %arg6[%run_scoped3A_328, %dma_wait3A_342, %dma_wait3A_343] : memref<2x640x64xf32, #tpu.memory_space<vmem>> -> memref<1x640x64xf32, #tpu.memory_space<vmem>>
      %dma_wait3A_345 = tpu.memref_squeeze %dma_wait3A_344 : memref<1x640x64xf32, #tpu.memory_space<vmem>> -> memref<640x64xf32, #tpu.memory_space<vmem>>
      %dma_wait3A_346 = arith.constant 0 : i32
      %dma_wait3A_347 = tpu.memref_slice %arg4[%multiple_of3A_327, %dma_wait3A_346] : memref<819200x64xf32, #tpu.memory_space<hbm>> -> memref<640x64xf32, #tpu.memory_space<hbm>>
      %dma_wait3A_348 = arith.constant 0 : i32
      %dma_wait3A_349 = tpu.memref_slice %arg4[%multiple_of3A_327, %dma_wait3A_348] : memref<819200x64xf32, #tpu.memory_space<hbm>> -> memref<640x64xf32, #tpu.memory_space<hbm>>
      %dma_wait3A_350 = arith.constant 0 : i32
      %dma_wait3A_351 = arith.constant 0 : i32
      %dma_wait3A_352 = tpu.memref_slice %arg6[%run_scoped3A_328, %dma_wait3A_350, %dma_wait3A_351] : memref<2x640x64xf32, #tpu.memory_space<vmem>> -> memref<1x640x64xf32, #tpu.memory_space<vmem>>
      %dma_wait3A_353 = tpu.memref_squeeze %dma_wait3A_352 : memref<1x640x64xf32, #tpu.memory_space<vmem>> -> memref<640x64xf32, #tpu.memory_space<vmem>>
      tpu.wait_dma2 semaphore(%run_scoped3A_329 : memref<!tpu.dma_semaphore, #tpu.memory_space<semaphore_mem>>) src(%dma_wait3A_353 : memref<640x64xf32, #tpu.memory_space<vmem>>) dst(%dma_wait3A_349 : memref<640x64xf32, #tpu.memory_space<hbm>>)
      tpu.yield
    }) : () -> ()
    return
  }
}

</mosaic_0001>

<sc_bundles>
// kernel: kernel.3.cloned.1.call-start
scs
__scs_entry_jumppad:
0x0: {  	(pc) =	sbr.rel $0x88, $3  }
0x1: {  	(tag) =	ssettag $0x0;
	lr =	simm.s32 $0x1  }
0x2: {  	[smem:$0x3F9F] =	sst lr;
	_ =	strace $0xD0000000  }
0x3: {  	_ = 	snop  }
0x4: {  	_ = 	snop  }
0x5: {  	_ = 	snop  }
0x6: {  	_ = 	snop  }
0x7: {  	_ = 	snop  }
__scs_overlays_trampoline_lowered:
0x8: {  	[smem:$0x3FAE] =	sst s0  }
0x9: {  	[smem:$0x3FAF] =	sst s1  }
0xa: {  	[smem:$0x3FB0] =	sst s2  }
0xb: {  	[smem:$0x3FB1] =	sst s3  }
0xc: {  	[smem:$0x3FB2] =	sst s4  }
0xd: {  	[smem:$0x3FB3] =	sst s5  }
0xe: {  	[smem:$0x3FB4] =	sst s6  }
0xf: {  	[smem:$0x3FB5] =	sst s7  }
0x10: {  	[smem:$0x3FB6] =	sst s8  }
0x11: {  	[smem:$0x3FB7] =	sst s9;
	s0 =	simm.s32 @!p0 $0x0  }
0x12: {  	s1 =	sld [smem:$0x3F9D];
	s0 =	simm.s32 @p0 $0x1  }
0x13: {  	[smem:$0x3FB8] =	sst s0;
	s0 =	simm.s32 @!p1 $0x0  }
0x14: {  	s2 =	sld [smem:$0x3F9C];
	s0 =	simm.s32 @p1 $0x1  }
0x15: {  	[smem:$0x3FB9] =	sst s0;
	s0 =	simm.s32 @!p2 $0x0  }
0x16: {  	s3 =	sld [smem:$0x3FDB];
	s0 =	simm.s32 @p2 $0x1  }
0x17: {  	s4 =	simm.s32 $0x1BF5;
	[smem:$0x3FBB] =	sst s0  }
0x18: {  	s0 =	sld [smem:$0x3F9E];
	_ =	swait.ge [sflag:s4], $0x0  }
0x19: {  	s7 =	sld [smem:$0x3F9F]  }
0x1a: {  	s8 =	sadd.s32 $0xFFFFE003, lr  }
0x1b: {  	s9 =	sadd.s32 $0xFFFFFEF7, lr;
	s5 =	simm.s32 $0xFFFFFFFF;
	p2 =	slt.u32 s8, $0xFFFFF086  }
0x1c: {  	p1 =	slt.u32 s9, $0xF7A;
	s5 =	simm.s32 @!p2 $0x0  }
0x1d: {  	s5 =	simm.s32 @p1 $0x1;
	p0 =	seq.s32 s7, s2  }
0x1e: {  	s7 =	smul.u32 @!p0 $0xF7A, s2;
	p2 =	seq.s32 @!p0 s5, $0x0  }
0x1f: {  	s9 =	smul.u32 $0xF7A, s1;
	s8 =	simm.s32 @!p0 $0x1BF5;
	p2 =	por !p2, p0  }
0x20: {  	[sflag:s8] =	ssyncset.s32 @!p0 $0xFFFFF086;
	s6 =	sadd.s32 @!p0 s3, s7;
	s7 =	simm.s32 @!p0 $0x108  }
0x21: {  	s3 =	sadd.s32 s3, s9;
	s6 =	sadd.s32 @!p0 $0x88, s6;
	s7 =	simm.s32 @p2 $0x1082  }
0x22: {  	[simem:s7], [sflag:s8] =	dma.local @!p0 [hbm:s6], $0xF7A  }
0x23: {  	s9 =	sor.u32 $0xD0000000, s2;
	s6 =	simm.s32 $0x108;
	_ =	swait.ge @!p0 [sflag:s8], $0x0  }
0x24: {  	s3 =	sadd.s32 $0x88, s3;
	s6 =	simm.s32 @!p1 $0x1082;
	[sflag:s4] =	ssyncset.s32 $0xFFFFF086  }
0x25: {  	[simem:s6], [sflag:s4] =	dma.local [hbm:s3], $0xF7A  }
0x26: {  	[smem:$0x3F9F] =	sst s1;
	(tag) =	ssettag s2;
	_ =	strace s9  }
0x27: {  	s1 =	sld [smem:$0x3FAF]  }
0x28: {  	s2 =	sld [smem:$0x3FB0]  }
0x29: {  	s4 =	sld [smem:$0x3FB2]  }
0x2a: {  	p0 =	seq.s32 s5, $0x0;
	s5 =	sld [smem:$0x3FB3]  }
0x2b: {  	s6 =	sld [smem:$0x3FB4]  }
0x2c: {  	s7 =	sld [smem:$0x3FB5]  }
0x2d: {  	s3 =	simm.s32 $0x108;
	s8 =	sld [smem:$0x3FB6]  }
0x2e: {  	s3 =	simm.s32 @!p0 $0x1082;
	s9 =	sld [smem:$0x3FB7]  }
0x2f: {  	lr =	sadd.s32 s0, s3;
	s0 =	sld [smem:$0x3FAE]  }
0x30: {  	s3 =	sld [smem:$0x3FB1]  }
0x31: {  	[smem:$0x3FBA] =	sst s10  }
0x32: {  	s10 =	sld [smem:$0x3FB8];
	_ =	sdelay $0x3  }
0x33: {  	p0 =	seq.s32 s10, $0x1;
	s10 =	sld [smem:$0x3FBA];
	_ =	sdelay $0x3  }
0x34: {  	[smem:$0x3FBA] =	sst s10  }
0x35: {  	s10 =	sld [smem:$0x3FB9];
	_ =	sdelay $0x3  }
0x36: {  	p1 =	seq.s32 s10, $0x1;
	s10 =	sld [smem:$0x3FBA];
	_ =	sdelay $0x3  }
0x37: {  	[smem:$0x3FBA] =	sst s10  }
0x38: {  	s10 =	sld [smem:$0x3FBB]  }
0x39: {  	_ = 	snop;
	(pc) =	sbr.ind lr, $3  }
0x3a: {  	_ = 	snop  }
0x3b: {  	_ = 	snop  }
0x3c: {  	p2 =	seq.s32 s10, $0x1;
	s10 =	sld [smem:$0x3FBA]  }
0x3d: {  	_ =	shalt  }
0x3e: {  	_ =	shalt  }
0x3f: {  	_ =	shalt  }
0x40: {  	_ =	shalt  }
0x41: {  	_ =	shalt  }
0x42: {  	_ =	shalt  }
0x43: {  	_ =	shalt  }
0x44: {  	_ =	shalt  }
0x45: {  	_ =	shalt  }
0x46: {  	_ =	shalt  }
0x47: {  	_ =	shalt  }
0x48: {  	_ =	shalt  }
0x49: {  	_ =	shalt  }
0x4a: {  	_ =	shalt  }
0x4b: {  	_ =	shalt  }
0x4c: {  	_ =	shalt  }
0x4d: {  	_ =	shalt  }
0x4e: {  	_ =	shalt  }
0x4f: {  	_ =	shalt  }
0x50: {  	_ =	shalt  }
0x51: {  	_ =	shalt  }
0x52: {  	_ =	shalt  }
0x53: {  	_ =	shalt  }
0x54: {  	_ =	shalt  }
0x55: {  	_ =	shalt  }
0x56: {  	_ =	shalt  }
0x57: {  	_ =	shalt  }
0x58: {  	_ =	shalt  }
0x59: {  	_ =	shalt  }
0x5a: {  	_ =	shalt  }
0x5b: {  	_ =	shalt  }
0x5c: {  	_ =	shalt  }
0x5d: {  	_ =	shalt  }
0x5e: {  	_ =	shalt  }
0x5f: {  	_ =	shalt  }
0x60: {  	_ =	shalt  }
0x61: {  	_ =	shalt  }
0x62: {  	_ =	shalt  }
0x63: {  	_ =	shalt  }
0x64: {  	_ =	shalt  }
0x65: {  	_ =	shalt  }
0x66: {  	_ =	shalt  }
0x67: {  	_ =	shalt  }
0x68: {  	_ =	shalt  }
0x69: {  	_ =	shalt  }
0x6a: {  	_ =	shalt  }
0x6b: {  	_ =	shalt  }
0x6c: {  	_ =	shalt  }
0x6d: {  	_ =	shalt  }
0x6e: {  	_ =	shalt  }
0x6f: {  	_ =	shalt  }
0x70: {  	_ =	shalt  }
0x71: {  	_ =	shalt  }
0x72: {  	_ =	shalt  }
0x73: {  	_ =	shalt  }
0x74: {  	_ =	shalt  }
0x75: {  	_ =	shalt  }
0x76: {  	_ =	shalt  }
0x77: {  	_ =	shalt  }
0x78: {  	_ =	shalt  }
0x79: {  	_ =	shalt  }
0x7a: {  	_ =	shalt  }
0x7b: {  	_ =	shalt  }
0x7c: {  	_ =	shalt  }
0x7d: {  	_ =	shalt  }
0x7e: {  	_ =	shalt  }
0x7f: {  	_ =	shalt  }
0x80: {  	_ =	shalt  }
0x81: {  	_ =	shalt  }
0x82: {  	_ =	shalt  }
0x83: {  	_ =	shalt  }
0x84: {  	_ =	shalt  }
0x85: {  	_ =	shalt  }
0x86: {  	_ =	shalt  }
0x87: {  	_ =	shalt  }
.Lfunc_end0:
.L_simem_size_0:
called_computation.1_lowered:
.L_overlay_start_0:
0x88: {  	s2 =	sld [smem:$0x3FD9]  }
0x89: {  	s3 =	sld [smem:$0x3FFE];
	_ =	sdelay $0x1  }
0x8a: {  	s1 =	srdreg.scid  }
0x8b: {  	s0 =	sand.u32 $0x1, s1  }
0x8c: {  	s17 =	sshll.u32 s0, $0xA;
	s2 =	sadd.s32 s3, s2  }
0x8d: {  	s2 =	sadd.s32 s2, s17  }
0x8e: {  	[smem:$0x3FC6] =	sst s2  }
0x8f: {  	_ = 	snop  }
0x90: {  	s2 =	sld [smem:$0x3FD0];
	(tm) =	ssettm $0x1  }
0x91: {  	s18 =	sld [smem:$0x3FFB];
	_ =	sdelay $0x3  }
0x92: {  	_ =	strace s18  }
0x93: {  	s3 =	sld [smem:$0x3FFC];
	_ =	sdelay $0x3  }
0x94: {  	_ =	strace s3  }
0x95: {  	s3 =	sld [smem:$0x3FFD];
	_ =	sdelay $0x3  }
0x96: {  	_ =	strace s3  }
0x97: {  	_ =	strace $0x8FFFFFFF  }
0x98: {  	s19 =	sld [smem:$0x3FDB];
	_ =	sdelay $0x1  }
0x99: {  	s4 =	simm.s32 $_scs_section_size  }
0x9a: {  	s5 =	simm.s32 $_size__tile_overlayer_lowered;
	s6 =	simm.s32 $_tile_overlayer_lowered  }
0x9b: {  	s22 =	simm.s32 $0x1BFF;
	s21 =	sshll.u32 s6, $0x1;
	s3 =	sadd.s32 s4, s19  }
0x9c: {  	s7 =	simm.s32 $0x0;
	s20 =	sshll.u32 s5, $0x1;
	s5 =	sadd.s32 s21, s3  }
0x9d: {  	[timem:s7], [sflag:s22] =	dma.local [hbm:s5], s20  }
0x9e: {  	_ =	swait.ge [sflag:s22], s20  }
0x9f: {  	s4 =	ssub.s32 $0x0, s20;
	[sflag:s22] =	ssyncset.done $0x0  }
0xa0: {  	[sflag:s22] =	ssyncadd.s32 s4;
	_ =	sdelay $0x1  }
0xa1: {  	s23 =	simm.s32 $0x1B8B  }
0xa2: {  	_ =	swait.ge [sflag:s23], $0x1  }
0xa3: {  	[sflag:s23] =	ssyncset.done $0x0  }
0xa4: {  	s25 =	simm.s32 $0x1B8E;
	s24 =	sld [smem:$0x3FFE];
	[sflag:s23] =	ssyncadd.s32 $0xFFFFFFFF  }
0xa5: {  	s26 =	simm.s32 $execute0_lowered;
	[smem:$0x3FD2] =	sst s25  }
0xa6: {  	s5 =	sshll.u32 s26, $0x1;
	_ =	strace $0x80000046;
	[dreg:$0x1] =	wrdreg $0xFFFFFFFF  }
0xa7: {  	s28 =	simm.s32 $_size_execute0_lowered;
	s3 =	sadd.s32 s3, s5;
	[dreg:$0x0] =	wrdreg $0x0  }
0xa8: {  	s5 =	sshll.u32 s28, $0x1;
	[dreg:$0x2] =	wrdreg s3  }
0xa9: {  	[dreg:$0x3] =	wrdreg s5  }
0xaa: {  	[dreg:$0x4] =	wrdreg $0xC0  }
0xab: {  	_ =	task [dreg:s7], $0x5FFFF  }
0xac: {  	[dreg:$0x1] =	wrdreg $0xFFFFFFFF  }
0xad: {  	[dreg:$0x0] =	wrdreg $0x60  }
0xae: {  	[dreg:$0x2] =	wrdreg s24  }
0xaf: {  	[dreg:$0x3] =	wrdreg s2  }
0xb0: {  	[dreg:$0x4] =	wrdreg $0x9  }
0xb1: {  	_ =	task.clear_ibuf [dreg:s7], $0x5FFFF;
	_ =	strace $0x90000046  }
0xb2: {  	s29 =	simm.s32 $0x9;
	_ =	strace $0x80000048  }
0xb3: {  	_ =	swait.ge [sflag:s29], $0x1  }
0xb4: {  	[sflag:s29] =	ssyncadd.s32 $0xFFFFFFFF  }
0xb5: {  	_ =	strace $0x90000048  }
0xb6: {  	_ =	sfence  }
0xb7: {  	s30 =	sld [smem:$0x0];
	_ =	sdelay $0x2  }
0xb8: {  	s31 =	sshll.u32 s1, $0xD;
	s1 =	sshrl.u32 s1, $0x2  }
0xb9: {  	s3 =	sand.u32 $0x4000, s31;
	s1 =	sadd.s32 s1, s30  }
0xba: {  	s0 =	sor.u32 s3, s0;
	s1 =	sshll.u32 s1, $0x11  }
0xbb: {  	s0 =	sor.u32 s1, s0  }
0xbc: {  	s0 =	sadd.s32 $0x8F2B, s0  }
0xbd: {  	[sflag:s0] =	ssyncadd.remote.s32 $0x1  }
0xbe: {  	_ =	sfence.sel $0xFFFF  }
0xbf: {  	[dreg:$0x0] =	wrdreg $0xFFFFFFFF;
	(pc) =	sbr.abs _section_cstart, $3  }
0xc0: {  	[dreg:$0x1] =	wrdreg $0xFFFFFFFF  }
0xc1: {  	_ =	task.clear_ibuf [dreg:s7], $0x2FFFF;
	_ =	strace $0x9FFFFFFF  }
0xc2: {  	(tm) =	ssettm $0x7FFFFFFF  }
0xc3: {  	_ =	shalt  }
tec
execute0_lowered:
.L_overlay_start_1:
0x0: {  	(tag) =	ssettag $0x1  }
0x1: {  	s0 =	srdreg.scid  }
0x2: {  	s6 =	stileid.u32;
	s1 =	rddreg [dreg:$0x0]  }
0x3: {  	s8 =	rddreg [dreg:$0x1];
	s10 =	simm.s32 $0x3;
	s11 =	simm.s32 $0x80  }
0x4: {  	s12 =	simm.s32 $0x6400;
	s13 =	simm.s32 $0x8400;
	s15 =	simm.s32 $0xA400  }
0x5: {  	s17 =	simm.s32 $0xC400;
	s19 =	simm.s32 $0xE400;
	s21 =	simm.s32 $0x10400  }
0x6: {  	s28 =	simm.s32 $0x16400;
	s29 =	simm.s32 $0x480;
	s30 =	simm.s32 $0x18400  }
0x7: {  	s0 =	sand.u32 $0x1, s0;
	s2 =	sshll.u32 s6, $0x1;
	s23 =	smul.u32 $0xC800, s6  }
0x8: {  	s3 =	sor.u32 s0, s2;
	s7 =	ssub.s32 $0x2, s0;
	s0 =	smul.u32 $0x6400, s0  }
0x9: {  	s31 =	simm.s32 $0x1;
	s2 =	simm.s32 $0x0;
	s4 =	smul.u32 $0x6400, s3  }
0xa: {  	[smem:$0x7FF] =	sst s2;
	s5 =	smul.u32 $0x190000, s3;
	s3 =	sadd.s32 $0xF42E00, s1  }
0xb: {  	s25 =	sshrl.u32 s7, $0x1;
	_ =	strace $0x80000047;
	s0 =	sadd.s32 s0, s23  }
0xc: {  	s23 =	simm.s32 $0x12400;
	s22 =	sshrl.u32 s4, $0x3;
	s5 =	sshrl.u32 s5, $0x3  }
0xd: {  	s0 =	sshll.u32 s0, $0x3;
	s24 =	sadd.s32 s22, s1;
	s1 =	ssub.s32 s7, s25  }
0xe: {  	s26 =	sadd.s32 s8, s5;
	s8 =	sadd.s32 s0, s8;
	s25 =	simm.s32 $0x14400  }
0xf: {  	s0 =	simm.s32 $0x0;
	s4 =	sadd.s32 $0xA00, s24;
	s5 =	sadd.s32 $0x2F800, s26  }
0x10: {  	s6 =	sadd.s32 $0x30C00, s26;
	s7 =	smax.u32 s1, $0x1;
	s9 =	sadd.s32 $0x1400, s8  }
0x11: {  	s24 =	simm.s32 $0x380;
	s26 =	simm.s32 $0x400;
	s1 =	simm.s32 $0x2  }
.LBB2_1:
0x12: {  	[tilespmem:s2], [sflag:$0x3] =	stream.linear.gather [hbm4b:s4+s2], $0x6400, $0x38;
	[tilespmem:$0x1A400] =	vst v63  }
0x13: {  	_ =	swait.ge [sflag:s10], $0x6400  }
0x14: {  	[sflag:s10] =	ssyncset.done $0x0  }
0x15: {  	[sflag:s10] =	ssyncadd.s32 $0xFFFF9C00  }
0x16: {  	[tilespmem:s12], [sflag:$0x1] =	stream.indirect.gather [hbm4b:s3+s11], $0x40, s2, s11, $0xb8;
	[tilespmem:$0x1A400] =	vst v63  }
0x17: {  	_ = 	snop  }
0x18: {  	[tilespmem:s13], [sflag:$0x1] =	stream.indirect.gather [hbm4b:s3+s11], $0x40, s11, s11, $0xb8;
	[tilespmem:$0x1A400] =	vst v63  }
0x19: {  	s14 =	simm.s32 $0x100  }
0x1a: {  	[tilespmem:s15], [sflag:$0x1] =	stream.indirect.gather [hbm4b:s3+s11], $0x40, s14, s11, $0xb8;
	[tilespmem:$0x1A400] =	vst v63  }
0x1b: {  	s22 =	simm.s32 $0x180  }
0x1c: {  	[tilespmem:s17], [sflag:$0x1] =	stream.indirect.gather [hbm4b:s3+s11], $0x40, s22, s11, $0xb8;
	[tilespmem:$0x1A400] =	vst v63  }
0x1d: {  	s16 =	simm.s32 $0x200  }
0x1e: {  	[tilespmem:s19], [sflag:$0x1] =	stream.indirect.gather [hbm4b:s3+s11], $0x40, s16, s11, $0xb8;
	[tilespmem:$0x1A400] =	vst v63  }
0x1f: {  	s18 =	simm.s32 $0x280  }
0x20: {  	[tilespmem:s21], [sflag:$0x2] =	stream.indirect.gather [hbm4b:s3+s11], $0x40, s18, s11, $0xb8;
	[tilespmem:$0x1A400] =	vst v63  }
0x21: {  	s20 =	simm.s32 $0x300  }
0x22: {  	[tilespmem:s23], [sflag:$0x2] =	stream.indirect.gather [hbm4b:s3+s11], $0x40, s20, s11, $0xb8;
	[tilespmem:$0x1A400] =	vst v63  }
0x23: {  	_ = 	snop  }
0x24: {  	[tilespmem:s25], [sflag:$0x2] =	stream.indirect.gather [hbm4b:s3+s11], $0x40, s24, s11, $0xb8;
	[tilespmem:$0x1A400] =	vst v63  }
0x25: {  	_ = 	snop  }
0x26: {  	[tilespmem:s28], [sflag:$0x2] =	stream.indirect.gather [hbm4b:s3+s11], $0x40, s26, s11, $0xb8;
	[tilespmem:$0x1A400] =	vst v63  }
0x27: {  	_ = 	snop  }
0x28: {  	[tilespmem:s30], [sflag:$0x2] =	stream.indirect.gather [hbm4b:s3+s11], $0x40, s29, s11, $0xb8;
	[tilespmem:$0x1A400] =	vst v63  }
0x29: {  	_ =	swait.ge [sflag:s31], $0x2000  }
0x2a: {  	[sflag:s31] =	ssyncset.done $0x0  }
0x2b: {  	[sflag:s31] =	ssyncadd.s32 $0xFFFFE000  }
0x2c: {  	_ =	swait.ge [sflag:s31], $0x2000  }
0x2d: {  	[sflag:s31] =	ssyncset.done $0x0  }
0x2e: {  	[sflag:s31] =	ssyncadd.s32 $0xFFFFE000  }
0x2f: {  	_ =	swait.ge [sflag:s31], $0x2000  }
0x30: {  	[sflag:s31] =	ssyncset.done $0x0  }
0x31: {  	[sflag:s31] =	ssyncadd.s32 $0xFFFFE000  }
0x32: {  	_ =	swait.ge [sflag:s31], $0x2000  }
0x33: {  	[sflag:s31] =	ssyncset.done $0x0  }
0x34: {  	[sflag:s31] =	ssyncadd.s32 $0xFFFFE000  }
0x35: {  	_ =	swait.ge [sflag:s31], $0x2000  }
0x36: {  	[sflag:s31] =	ssyncset.done $0x0  }
0x37: {  	[sflag:s31] =	ssyncadd.s32 $0xFFFFE000  }
0x38: {  	[hbm4b:s8+s2] =	stream.linear.scatter [tilespmem:s12], [sflag:$0x3], $0xA000, $0x38;
	[tilespmem:$0x1A400] =	vst v63  }
0x39: {  	_ =	swait.ge [sflag:s10], $0xA000  }
0x3a: {  	[sflag:s10] =	ssyncset.done $0x0  }
0x3b: {  	s22 =	simm.s32 $0x500;
	[sflag:s10] =	ssyncadd.s32 $0xFFFF6000  }
0x3c: {  	[tilespmem:s12], [sflag:$0x1] =	stream.indirect.gather [hbm4b:s3+s11], $0x40, s22, s11, $0xb8;
	[tilespmem:$0x1A400] =	vst v63  }
0x3d: {  	s16 =	simm.s32 $0x580  }
0x3e: {  	[tilespmem:s13], [sflag:$0x1] =	stream.indirect.gather [hbm4b:s3+s11], $0x40, s16, s11, $0xb8;
	[tilespmem:$0x1A400] =	vst v63  }
0x3f: {  	s18 =	simm.s32 $0x600  }
0x40: {  	[tilespmem:s15], [sflag:$0x1] =	stream.indirect.gather [hbm4b:s3+s11], $0x40, s18, s11, $0xb8;
	[tilespmem:$0x1A400] =	vst v63  }
0x41: {  	s20 =	simm.s32 $0x680  }
0x42: {  	[tilespmem:s17], [sflag:$0x1] =	stream.indirect.gather [hbm4b:s3+s11], $0x40, s20, s11, $0xb8;
	[tilespmem:$0x1A400] =	vst v63  }
0x43: {  	s22 =	simm.s32 $0x700  }
0x44: {  	[tilespmem:s19], [sflag:$0x1] =	stream.indirect.gather [hbm4b:s3+s11], $0x40, s22, s11, $0xb8;
	[tilespmem:$0x1A400] =	vst v63  }
0x45: {  	_ =	swait.ge [sflag:s1], $0x2000  }
0x46: {  	[sflag:s1] =	ssyncset.done $0x0  }
0x47: {  	[sflag:s1] =	ssyncadd.s32 $0xFFFFE000  }
0x48: {  	_ =	swait.ge [sflag:s1], $0x2000  }
0x49: {  	[sflag:s1] =	ssyncset.done $0x0  }
0x4a: {  	[sflag:s1] =	ssyncadd.s32 $0xFFFFE000  }
0x4b: {  	_ =	swait.ge [sflag:s1], $0x2000  }
0x4c: {  	[sflag:s1] =	ssyncset.done $0x0  }
0x4d: {  	[sflag:s1] =	ssyncadd.s32 $0xFFFFE000  }
0x4e: {  	_ =	swait.ge [sflag:s1], $0x2000  }
0x4f: {  	[sflag:s1] =	ssyncset.done $0x0  }
0x50: {  	[sflag:s1] =	ssyncadd.s32 $0xFFFFE000  }
0x51: {  	_ =	swait.ge [sflag:s1], $0x2000  }
0x52: {  	[sflag:s1] =	ssyncset.done $0x0  }
0x53: {  	[sflag:s1] =	ssyncadd.s32 $0xFFFFE000  }
0x54: {  	[hbm4b:s9+s2] =	stream.linear.scatter [tilespmem:s21], [sflag:$0x3], $0xA000, $0x38;
	[tilespmem:$0x1A400] =	vst v63  }
0x55: {  	_ =	swait.ge [sflag:s10], $0xA000  }
0x56: {  	[sflag:s10] =	ssyncset.done $0x0  }
0x57: {  	s16 =	simm.s32 $0x780;
	[sflag:s10] =	ssyncadd.s32 $0xFFFF6000  }
0x58: {  	[tilespmem:s21], [sflag:$0x2] =	stream.indirect.gather [hbm4b:s3+s11], $0x40, s16, s11, $0xb8;
	[tilespmem:$0x1A400] =	vst v63  }
0x59: {  	s18 =	simm.s32 $0x800  }
0x5a: {  	[tilespmem:s23], [sflag:$0x2] =	stream.indirect.gather [hbm4b:s3+s11], $0x40, s18, s11, $0xb8;
	[tilespmem:$0x1A400] =	vst v63  }
0x5b: {  	s14 =	simm.s32 $0x1400;
	s20 =	simm.s32 $0x880;
	s22 =	simm.s32 $0x900  }
0x5c: {  	[tilespmem:s25], [sflag:$0x2] =	stream.indirect.gather [hbm4b:s3+s11], $0x40, s20, s11, $0xb8;
	[tilespmem:$0x1A400] =	vst v63  }
0x5d: {  	s16 =	sadd.s32 $0x2800, s9;
	s18 =	sadd.s32 $0x2800, s8;
	s20 =	simm.s32 $0x980  }
0x5e: {  	[tilespmem:s28], [sflag:$0x2] =	stream.indirect.gather [hbm4b:s3+s11], $0x40, s22, s11, $0xb8;
	[tilespmem:$0x1A400] =	vst v63  }
.LBB2_2:
0x5f: {  	[tilespmem:s30], [sflag:$0x2] =	stream.indirect.gather [hbm4b:s3+s11], $0x40, s20, s11, $0xb8;
	[tilespmem:$0x1A400] =	vst v63  }
0x60: {  	s20 =	smov.u32 s14  }
0x61: {  	p0 =	sne.s32 s14, $0x16800;
	s14 =	sadd.s32 $0x1400, s14;
	_ =	swait.ge [sflag:s31], $0x2000  }
0x62: {  	[sflag:s31] =	ssyncset.done $0x0  }
0x63: {  	[sflag:s31] =	ssyncadd.s32 $0xFFFFE000  }
0x64: {  	_ =	swait.ge [sflag:s31], $0x2000  }
0x65: {  	[sflag:s31] =	ssyncset.done $0x0  }
0x66: {  	[sflag:s31] =	ssyncadd.s32 $0xFFFFE000  }
0x67: {  	_ =	swait.ge [sflag:s31], $0x2000  }
0x68: {  	[sflag:s31] =	ssyncset.done $0x0  }
0x69: {  	[sflag:s31] =	ssyncadd.s32 $0xFFFFE000  }
0x6a: {  	_ =	swait.ge [sflag:s31], $0x2000  }
0x6b: {  	[sflag:s31] =	ssyncset.done $0x0  }
0x6c: {  	[sflag:s31] =	ssyncadd.s32 $0xFFFFE000  }
0x6d: {  	_ =	swait.ge [sflag:s31], $0x2000  }
0x6e: {  	[sflag:s31] =	ssyncset.done $0x0  }
0x6f: {  	[sflag:s31] =	ssyncadd.s32 $0xFFFFE000  }
0x70: {  	[hbm4b:s18+s2] =	stream.linear.scatter [tilespmem:s12], [sflag:$0x3], $0xA000, $0x38;
	[tilespmem:$0x1A400] =	vst v63  }
0x71: {  	_ =	swait.ge [sflag:s10], $0xA000  }
0x72: {  	s20 =	sshra.s32 s20, $0x2;
	[sflag:s10] =	ssyncset.done $0x0  }
0x73: {  	s22 =	sadd.s32 $0x500, s20;
	[sflag:s10] =	ssyncadd.s32 $0xFFFF6000  }
0x74: {  	[tilespmem:s12], [sflag:$0x1] =	stream.indirect.gather [hbm4b:s3+s11], $0x40, s22, s11, $0xb8;
	[tilespmem:$0x1A400] =	vst v63  }
0x75: {  	s22 =	sadd.s32 $0x580, s20  }
0x76: {  	[tilespmem:s13], [sflag:$0x1] =	stream.indirect.gather [hbm4b:s3+s11], $0x40, s22, s11, $0xb8;
	[tilespmem:$0x1A400] =	vst v63  }
0x77: {  	s22 =	sadd.s32 $0x600, s20  }
0x78: {  	[tilespmem:s15], [sflag:$0x1] =	stream.indirect.gather [hbm4b:s3+s11], $0x40, s22, s11, $0xb8;
	[tilespmem:$0x1A400] =	vst v63  }
0x79: {  	s22 =	sadd.s32 $0x680, s20  }
0x7a: {  	[tilespmem:s17], [sflag:$0x1] =	stream.indirect.gather [hbm4b:s3+s11], $0x40, s22, s11, $0xb8;
	[tilespmem:$0x1A400] =	vst v63  }
0x7b: {  	s22 =	sadd.s32 $0x700, s20  }
0x7c: {  	[tilespmem:s19], [sflag:$0x1] =	stream.indirect.gather [hbm4b:s3+s11], $0x40, s22, s11, $0xb8;
	[tilespmem:$0x1A400] =	vst v63  }
0x7d: {  	_ =	swait.ge [sflag:s1], $0x2000  }
0x7e: {  	[sflag:s1] =	ssyncset.done $0x0  }
0x7f: {  	[sflag:s1] =	ssyncadd.s32 $0xFFFFE000  }
0x80: {  	_ =	swait.ge [sflag:s1], $0x2000  }
0x81: {  	[sflag:s1] =	ssyncset.done $0x0  }
0x82: {  	[sflag:s1] =	ssyncadd.s32 $0xFFFFE000  }
0x83: {  	_ =	swait.ge [sflag:s1], $0x2000  }
0x84: {  	[sflag:s1] =	ssyncset.done $0x0  }
0x85: {  	[sflag:s1] =	ssyncadd.s32 $0xFFFFE000  }
0x86: {  	_ =	swait.ge [sflag:s1], $0x2000  }
0x87: {  	[sflag:s1] =	ssyncset.done $0x0  }
0x88: {  	[sflag:s1] =	ssyncadd.s32 $0xFFFFE000  }
0x89: {  	_ =	swait.ge [sflag:s1], $0x2000  }
0x8a: {  	[sflag:s1] =	ssyncset.done $0x0  }
0x8b: {  	[sflag:s1] =	ssyncadd.s32 $0xFFFFE000  }
0x8c: {  	[hbm4b:s16+s2] =	stream.linear.scatter [tilespmem:s21], [sflag:$0x3], $0xA000, $0x38;
	[tilespmem:$0x1A400] =	vst v63  }
0x8d: {  	_ =	swait.ge [sflag:s10], $0xA000  }
0x8e: {  	[sflag:s10] =	ssyncset.done $0x0  }
0x8f: {  	s22 =	sadd.s32 $0x780, s20;
	[sflag:s10] =	ssyncadd.s32 $0xFFFF6000  }
0x90: {  	[tilespmem:s21], [sflag:$0x2] =	stream.indirect.gather [hbm4b:s3+s11], $0x40, s22, s11, $0xb8;
	[tilespmem:$0x1A400] =	vst v63  }
0x91: {  	s22 =	sadd.s32 $0x800, s20  }
0x92: {  	[tilespmem:s23], [sflag:$0x2] =	stream.indirect.gather [hbm4b:s3+s11], $0x40, s22, s11, $0xb8;
	[tilespmem:$0x1A400] =	vst v63  }
.Ltmp0:
0x93: {  	s22 =	sadd.s32 $0x880, s20;
	(pc) =	sbr.rel @p0 .LBB2_2-.Ltmp0, $4  }
0x94: {  	[tilespmem:s25], [sflag:$0x2] =	stream.indirect.gather [hbm4b:s3+s11], $0x40, s22, s11, $0xb8;
	[tilespmem:$0x1A400] =	vst v63  }
0x95: {  	s22 =	sadd.s32 $0x900, s20  }
0x96: {  	[tilespmem:s28], [sflag:$0x2] =	stream.indirect.gather [hbm4b:s3+s11], $0x40, s22, s11, $0xb8;
	[tilespmem:$0x1A400] =	vst v63  }
0x97: {  	s18 =	sadd.s32 $0x2800, s18;
	s16 =	sadd.s32 $0x2800, s16;
	s20 =	sadd.s32 $0x980, s20  }
0x98: {  	[tilespmem:s30], [sflag:$0x2] =	stream.indirect.gather [hbm4b:s3+s11], $0x40, s20, s11, $0xb8;
	[tilespmem:$0x1A400] =	vst v63  }
0x99: {  	_ =	swait.ge [sflag:s31], $0x2000  }
0x9a: {  	[sflag:s31] =	ssyncset.done $0x0  }
0x9b: {  	[sflag:s31] =	ssyncadd.s32 $0xFFFFE000  }
0x9c: {  	_ =	swait.ge [sflag:s31], $0x2000  }
0x9d: {  	[sflag:s31] =	ssyncset.done $0x0  }
0x9e: {  	[sflag:s31] =	ssyncadd.s32 $0xFFFFE000  }
0x9f: {  	_ =	swait.ge [sflag:s31], $0x2000  }
0xa0: {  	[sflag:s31] =	ssyncset.done $0x0  }
0xa1: {  	[sflag:s31] =	ssyncadd.s32 $0xFFFFE000  }
0xa2: {  	_ =	swait.ge [sflag:s31], $0x2000  }
0xa3: {  	[sflag:s31] =	ssyncset.done $0x0  }
0xa4: {  	[sflag:s31] =	ssyncadd.s32 $0xFFFFE000  }
0xa5: {  	_ =	swait.ge [sflag:s31], $0x2000  }
0xa6: {  	[sflag:s31] =	ssyncset.done $0x0  }
0xa7: {  	[sflag:s31] =	ssyncadd.s32 $0xFFFFE000  }
0xa8: {  	[hbm4b:s5+s2] =	stream.linear.scatter [tilespmem:s12], [sflag:$0x3], $0xA000, $0x38;
	[tilespmem:$0x1A400] =	vst v63  }
0xa9: {  	_ =	swait.ge [sflag:s10], $0xA000  }
0xaa: {  	[sflag:s10] =	ssyncset.done $0x0  }
0xab: {  	[sflag:s10] =	ssyncadd.s32 $0xFFFF6000  }
0xac: {  	_ =	swait.ge [sflag:s1], $0x2000  }
0xad: {  	[sflag:s1] =	ssyncset.done $0x0  }
0xae: {  	[sflag:s1] =	ssyncadd.s32 $0xFFFFE000  }
0xaf: {  	_ =	swait.ge [sflag:s1], $0x2000  }
0xb0: {  	[sflag:s1] =	ssyncset.done $0x0  }
0xb1: {  	[sflag:s1] =	ssyncadd.s32 $0xFFFFE000  }
0xb2: {  	_ =	swait.ge [sflag:s1], $0x2000  }
0xb3: {  	[sflag:s1] =	ssyncset.done $0x0  }
0xb4: {  	[sflag:s1] =	ssyncadd.s32 $0xFFFFE000  }
0xb5: {  	_ =	swait.ge [sflag:s1], $0x2000  }
0xb6: {  	[sflag:s1] =	ssyncset.done $0x0  }
0xb7: {  	[sflag:s1] =	ssyncadd.s32 $0xFFFFE000  }
0xb8: {  	s0 =	sadd.s32 $0x1, s0;
	_ =	swait.ge [sflag:s1], $0x2000  }
0xb9: {  	p0 =	sne.s32 s0, s7;
	[sflag:s1] =	ssyncset.done $0x0  }
.Ltmp1:
0xba: {  	[sflag:s1] =	ssyncadd.s32 $0xFFFFE000;
	(pc) =	sbr.rel @p0 .LBB2_1-.Ltmp1, $4  }
0xbb: {  	[hbm4b:s6+s2] =	stream.linear.scatter [tilespmem:s21], [sflag:$0x3], $0xA000, $0x38;
	[tilespmem:$0x1A400] =	vst v63  }
0xbc: {  	_ =	swait.ge [sflag:s10], $0xA000  }
0xbd: {  	[sflag:s10] =	ssyncset.done $0x0  }
0xbe: {  	[sflag:s10] =	ssyncadd.s32 $0xFFFF6000  }
0xbf: {  	_ =	sfence.sel $0x180000  }
0xc0: {  	[bflag:$0x0] =	sbarrier.arrive $0xFFFF  }
0xc1: {  	_ =	strace $0x90000047  }
0xc2: {  	s0 =	stileid.u32;
	[bflag:$0x2] =	sbarrier.arrive $0xFFFF  }
0xc3: {  	p0 =	sne.s32 s0, $0x0;
	s0 =	rddreg [dreg:$0x2]  }
0xc4: {  	s0 =	sadd.s32 @!p0 $0x100000, s0  }
0xc5: {  	[sflag:s0] =	ssyncadd.tile.s32 @!p0 $0x1;
	_ =	shalt  }
.Lfunc_end2:
_tile_overlayer_lowered:
.L_overlay_start_2:
0xc6: {  	(tag) =	ssettag $0x2  }
0xc7: {  	s0 =	rddreg [dreg:$0x0];
	s2 =	stileid.u32  }
0xc8: {  	s1 =	rddreg [dreg:$0x1];
	p0 =	sne.s32 s2, $0x0  }
0xc9: {  	s3 =	rddreg [dreg:$0x2];
	[bflag:$0x3] =	sbarrier.arrive $0xFFFF;
	s2 =	simm.s32 @!p0 $0x1C03  }
0xca: {  	[timem:s3], [sflag:s2] =	dma.local @!p0 [hbm:s0], s1  }
0xcb: {  	s0 =	simm.s32 @!p0 $0x3  }
0xcc: {  	_ =	swait.ge @!p0 [sflag:s0], s1  }
0xcd: {  	s1 =	ssub.s32 @!p0 $0x0, s1;
	[sflag:s0] =	ssyncset.done @!p0 $0x0  }
0xce: {  	[sflag:s0] =	ssyncadd.s32 @!p0 s1  }
0xcf: {  	[bflag:$0x3] =	sbarrier.arrive $0xFFFF  }
0xd0: {  	_ =	shalt  }

// kernel: sparse-core-data-format-call.cloned.1.call-start
scs
called_computation_lowered:
.L_overlay_start_0:
0x0: {  	s2 =	sld [smem:$0x3FD9]  }
0x1: {  	s3 =	sld [smem:$0x3FFE];
	_ =	sdelay $0x1  }
0x2: {  	s1 =	srdreg.scid  }
0x3: {  	s0 =	sand.u32 $0x1, s1  }
0x4: {  	s18 =	sshll.u32 s0, $0xA;
	s2 =	sadd.s32 s3, s2  }
0x5: {  	s2 =	sadd.s32 s2, s18  }
0x6: {  	[smem:$0x3FC6] =	sst s2  }
0x7: {  	_ = 	snop  }
0x8: {  	s2 =	sld [smem:$0x3FD0];
	(tm) =	ssettm $0x1  }
0x9: {  	s19 =	sld [smem:$0x3FFB];
	_ =	sdelay $0x3  }
0xa: {  	_ =	strace s19  }
0xb: {  	s3 =	sld [smem:$0x3FFC];
	_ =	sdelay $0x3  }
0xc: {  	_ =	strace s3  }
0xd: {  	s3 =	sld [smem:$0x3FFD];
	_ =	sdelay $0x3  }
0xe: {  	_ =	strace s3  }
0xf: {  	_ =	strace $0x8FFFFFFF  }
0x10: {  	s20 =	sld [smem:$0x3FDB];
	_ =	sdelay $0x1  }
0x11: {  	s4 =	simm.s32 $_scs_section_size  }
0x12: {  	s5 =	simm.s32 $_size__tile_overlayer_lowered;
	s6 =	simm.s32 $_tile_overlayer_lowered  }
0x13: {  	s23 =	simm.s32 $0x1BFF;
	s22 =	sshll.u32 s6, $0x1;
	s3 =	sadd.s32 s4, s20  }
0x14: {  	s7 =	simm.s32 $0x0;
	s21 =	sshll.u32 s5, $0x1;
	s5 =	sadd.s32 s22, s3  }
0x15: {  	[timem:s7], [sflag:s23] =	dma.local [hbm:s5], s21  }
0x16: {  	_ =	swait.ge [sflag:s23], s21  }
0x17: {  	s4 =	ssub.s32 $0x0, s21;
	[sflag:s23] =	ssyncset.done $0x0  }
0x18: {  	[sflag:s23] =	ssyncadd.s32 s4;
	_ =	sdelay $0x1  }
0x19: {  	s24 =	simm.s32 $0x1B8B  }
0x1a: {  	_ =	swait.ge [sflag:s24], $0x1  }
0x1b: {  	[sflag:s24] =	ssyncset.done $0x0  }
0x1c: {  	s26 =	simm.s32 $0x1B8E;
	s25 =	sld [smem:$0x3FFE];
	[sflag:s24] =	ssyncadd.s32 $0xFFFFFFFF  }
0x1d: {  	s27 =	simm.s32 $execute0_lowered;
	[smem:$0x3FD2] =	sst s26  }
0x1e: {  	s5 =	sshll.u32 s27, $0x1;
	_ =	strace $0x80000049;
	[dreg:$0x1] =	wrdreg $0xFFFFFFFF  }
0x1f: {  	s28 =	simm.s32 $_size_execute0_lowered;
	s3 =	sadd.s32 s3, s5;
	[dreg:$0x0] =	wrdreg $0x0  }
0x20: {  	s5 =	sshll.u32 s28, $0x1;
	[dreg:$0x2] =	wrdreg s3  }
0x21: {  	[dreg:$0x3] =	wrdreg s5  }
0x22: {  	[dreg:$0x4] =	wrdreg $0xC0  }
0x23: {  	_ =	task [dreg:s7], $0x5FFFF  }
0x24: {  	[dreg:$0x1] =	wrdreg $0xFFFFFFFF  }
0x25: {  	[dreg:$0x0] =	wrdreg $0x60  }
0x26: {  	[dreg:$0x2] =	wrdreg s25  }
0x27: {  	[dreg:$0x3] =	wrdreg s2  }
0x28: {  	[dreg:$0x4] =	wrdreg $0x9  }
0x29: {  	_ =	task.clear_ibuf [dreg:s7], $0x5FFFF;
	_ =	strace $0x90000049  }
0x2a: {  	s29 =	simm.s32 $0x9;
	_ =	strace $0x8000004B  }
0x2b: {  	_ =	swait.ge [sflag:s29], $0x1  }
0x2c: {  	[sflag:s29] =	ssyncadd.s32 $0xFFFFFFFF  }
0x2d: {  	_ =	strace $0x9000004B  }
0x2e: {  	_ =	sfence  }
0x2f: {  	s30 =	sld [smem:$0x0];
	_ =	sdelay $0x2  }
0x30: {  	s31 =	sshll.u32 s1, $0xD;
	s1 =	sshrl.u32 s1, $0x2  }
0x31: {  	s3 =	sand.u32 $0x4000, s31;
	s1 =	sadd.s32 s1, s30  }
0x32: {  	s0 =	sor.u32 s3, s0;
	s1 =	sshll.u32 s1, $0x11  }
0x33: {  	s0 =	sor.u32 s1, s0  }
0x34: {  	s0 =	sadd.s32 $0x8F2B, s0  }
0x35: {  	[sflag:s0] =	ssyncadd.remote.s32 $0x1  }
0x36: {  	_ =	sfence.sel $0xFFFF  }
0x37: {  	[dreg:$0x0] =	wrdreg $0xFFFFFFFF;
	(pc) =	sbr.abs _section_cstart, $3  }
0x38: {  	[dreg:$0x1] =	wrdreg $0xFFFFFFFF  }
0x39: {  	_ =	task.clear_ibuf [dreg:s7], $0x2FFFF;
	_ =	strace $0x9FFFFFFF  }
0x3a: {  	(tm) =	ssettm $0x7FFFFFFF  }
0x3b: {  	_ =	shalt  }
tec
execute0_lowered:
.L_overlay_start_1:
0x0: {  	(tag) =	ssettag $0x1  }
0x1: {  	s0 =	srdreg.scid  }
0x2: {  	s1 =	sshll.u32 s0, $0x4  }
0x3: {  	s0 =	stileid.u32;
	s1 =	sand.u32 $0x10, s1  }
0x4: {  	s7 =	rddreg [dreg:$0x0];
	s1 =	sor.u32 s0, s1  }
0x5: {  	s4 =	simm.s32 $0x1;
	s8 =	simm.s32 $0x2;
	s2 =	sshll.u32 s1, $0x7  }
0x6: {  	s13 =	simm.s32 $0x0;
	s9 =	simm.s32 $0x20000;
	s1 =	ssub.s32 $0x4000, s2  }
0x7: {  	s14 =	simm.s32 $0x0;
	s11 =	simm.s32 $0x0;
	s3 =	sand.u32 $0xF80, s1  }
0x8: {  	s12 =	simm.s32 $0x0;
	s5 =	sshrl.u32 s1, $0xC;
	p0 =	sne.s32 s3, $0x0  }
.Ltmp0:
0x9: {  	s1 =	rddreg [dreg:$0x2];
	s4 =	simm.s32 @!p0 $0x0;
	(pc) =	sbr.rel .LBB1_1-.Ltmp0, $4  }
0xa: {  	s6 =	sadd.s32 $0xA00, s7;
	s3 =	rddreg [dreg:$0x1];
	s5 =	sadd.s32 s4, s5  }
0xb: {  	_ =	strace $0x8000004A;
	s4 =	simm.s32 $0x1;
	s5 =	smul.u32 $0x19, s5  }
0xc: {  	s7 =	sadd.s32 $0x40A00, s7;
	s10 =	smov.u32 s2;
	[sflag:s4] =	ssyncpa.u1 $0x0  }
0xd: {  	p0 =	por $0x0, $0x0;
	[sflag:s8] =	ssyncpa.u1 $0x0;
	s8 =	sadd.s32 $0x1, s5  }
.LBB1_7:
0xe: {  	s15 =	sadd.s32 $0x1000, s10  }
0xf: {  	s13 =	sadd.s32 $0x2, s11;
	s17 =	smov.u32 s11;
	p2 =	sgt.s32 s15, $0x3FFF  }
0x10: {  	s17 =	smov.u32 @p2 s13  }
0x11: {  	s15 =	smov.u32 @p2 s2;
	p2 =	sgt.s32 s17, $0x31  }
0x12: {  	s17 =	simm.s32 @p2 $0x0;
	p2 =	sne.s32 s12, s8  }
.Ltmp1:
0x13: {  	p1 =	slt.u32 s12, $0x2;
	(pc) =	sbr.rel @!p2 .LBB1_8-.Ltmp1, $4  }
0x14: {  	s16 =	simm.s32 @!p1 $0x2  }
0x15: {  	s14 =	smov.u32 s11;
	p0 =	por !p0, !p0;
	_ =	swait.ge @!p1 [sflag:s16], $0x4000  }
0x16: {  	s13 =	smov.u32 s10;
	[sflag:s16] =	ssyncset.done @!p1 $0x0;
	s10 =	smov.u32 s15  }
0x17: {  	s12 =	sadd.s32 $0x1, s12;
	[sflag:s16] =	ssyncadd.s32 @!p1 $0xFFFFC000;
	s11 =	smov.u32 s17  }
.LBB1_1:
0x18: {  	p1 =	sge.u32 s12, s5  }
0x19: {  	s15 =	sxor.u32 @!p1 $0xFFFFFFFF, s12;
	s16 =	sshll.u32 @!p1 s11, $0x12  }
0x1a: {  	s17 =	sshll.u32 @!p1 s10, $0x4;
	s19 =	simm.s32 @!p1 $0x40;
	s20 =	simm.s32 @!p1 $0x80  }
0x1b: {  	s15 =	sshll.u32 @!p1 s15, $0xE;
	s17 =	sand.u32 @!p1 $0x3FFF0, s17;
	s18 =	sadd.s32 @!p1 s6, s16  }
0x1c: {  	s16 =	sadd.s32 @!p1 s16, s7;
	s15 =	sand.u32 @!p1 $0x4000, s15;
	s18 =	sadd.s32 @!p1 s17, s18  }
0x1d: {  	[tilespmem:s15], [sflag:$0x1] =	stream.strided.gather @!p1 [hbm4b:s18+s19], $0x2000, s20, s19, $0x38;
	[tilespmem:$0x10100] =	vst v63  }
0x1e: {  	s31 =	sadd.s32 $0xFFFFFFFF, s12;
	s16 =	sadd.s32 @!p1 s17, s16;
	s15 =	sor.u32 @!p1 $0x2000, s15  }
0x1f: {  	[tilespmem:s15], [sflag:$0x1] =	stream.strided.gather @!p1 [hbm4b:s16+s19], $0x2000, s20, s19, $0x38;
	[tilespmem:$0x10100] =	vst v63  }
0x20: {  	p1 =	sge.u32 s31, s5  }
.Ltmp2:
0x21: {  	_ = 	snop;
	(pc) =	sbr.rel @p1 .LBB1_7-.Ltmp2, $1  }
0x22: {  	_ =	sdelay $0x3  }
0x23: {  	s15 =	simm.s32 $0x1;
	s17 =	sand.u32 $0x1, s12  }
0x24: {  	_ =	swait.ge [sflag:s4], $0x4000;
	s15 =	simm.s32 @!p0 $0x0;
	s17 =	smul.u32 $0x10200, s17  }
0x25: {  	p2 =	por $0x1, $0x1;
	[sflag:s4] =	ssyncset.done $0x0;
	s16 =	smul.u32 $0x10200, s15  }
0x26: {  	s18 =	sshll.u32 s15, $0x10;
	[sflag:s4] =	ssyncadd.s32 $0xFFFFC000;
	s30 =	sshrl.u32 s17, $0x2  }
0x27: {  	s31 =	sshrl.u32 s18, $0x2;
	s18 =	simm.s32 $0x0;
	s16 =	sshrl.u32 s16, $0x2  }
0x28: {  	s15 =	sor.u32 $0x8000, s30;
	s17 =	sadd.s32 $0x20, s31;
	s16 =	sor.u32 $0x8000, s16  }
.LBB1_3:
0x29: {  	s19 =	sshll.u32 s18, $0xD  }
0x2a: {  	s19 =	sand.u32 $0x3FFFE000, s19  }
0x2b: {  	s21 =	sadd.s32 s19, s17  }
0x2c: {  	s31 =	smul.u32 $0x8100, s18;
	v3 =	vld [tilespmem:s21+$0x10]  }
0x2d: {  	v1 =	vld [tilespmem:s21+$0xFFFFFFF0]  }
0x2e: {  	s18 =	sshra.s32 s31, $0x2;
	v0 =	vld [tilespmem:s21+$0x0]  }
0x2f: {  	s18 =	sadd.s32 s18, s16;
	v2 =	vld [tilespmem:s21+$0xFFFFFFE0]  }
0x30: {  	s19 =	sadd.s32 $0x0, s18  }
0x31: {  	p1 =	por p2, p2;
	s20 =	simm.s32 $0x4;
	s21 =	sadd.s32 $0x40, s21;
	[tilespmem:s19+$0x1830 ss:$0x81] =	vst.msk $0xffff, v3  }
.LBB1_4:
0x32: {  	v3 =	vld [tilespmem:s21+$0x10];
	p2 =	sne.s32 s20, $0x1FC;
	[tilespmem:s19+$0x810 ss:$0x81] =	vst.msk $0xffff, v1;
	s22 =	smov.u32 s20;
	s20 =	sadd.s32 $0x4, s20  }
.Ltmp3:
0x33: {  	v1 =	vld [tilespmem:s21+$0xFFFFFFF0];
	[tilespmem:s19+$0x1020 ss:$0x81] =	vst.msk $0xffff, v0;
	(pc) =	sbr.rel @p2 .LBB1_4-.Ltmp3, $4  }
0x34: {  	v0 =	vld [tilespmem:s21+$0x0];
	[tilespmem:s19+$0x0 ss:$0x81] =	vst.msk $0xffff, v2  }
0x35: {  	s19 =	sshra.s32 s22, $0x2;
	v2 =	vld [tilespmem:s21+$0xFFFFFFE0]  }
0x36: {  	s19 =	sadd.s32 s19, s18  }
0x37: {  	s21 =	sadd.s32 $0x40, s21;
	[tilespmem:s19+$0x1830 ss:$0x81] =	vst.msk $0xffff, v3  }
.Ltmp4:
0x38: {  	(pc) =	sbr.rel @p1 .LBB1_3-.Ltmp4, $4  }
0x39: {  	_ = 	snop  }
0x3a: {  	[tilespmem:s19+$0x810 ss:$0x81] =	vst.msk $0xffff, v1  }
0x3b: {  	[tilespmem:s19+$0x1020 ss:$0x81] =	vst.msk $0xffff, v0  }
0x3c: {  	s18 =	simm.s32 $0x1;
	p2 =	por $0x0, $0x0;
	[tilespmem:s19+$0x0 ss:$0x81] =	vst.msk $0xffff, v2  }
0x3d: {  	s16 =	sshll.u32 s13, $0x3;
	s17 =	sand.u32 $0x78, s13;
	s14 =	sshll.u32 s14, $0x11  }
.Ltmp5:
0x3e: {  	s30 =	sand.u32 $0x1F800, s13;
	s16 =	sand.u32 $0x3C00, s16;
	(pc) =	sbr.rel .LBB1_7-.Ltmp5, $4  }
0x3f: {  	s31 =	sand.u32 $0x7, s13;
	s14 =	sadd.s32 s3, s14;
	s16 =	sor.u32 s17, s16  }
0x40: {  	s13 =	sshll.u32 s31, $0x12;
	s14 =	sadd.s32 s30, s14;
	s16 =	sshrl.u32 s16, $0x3  }
0x41: {  	s13 =	sor.u32 $0x400, s13;
	s14 =	sadd.s32 s16, s14  }
0x42: {  	[hbm4b:s14+s13] =	stream.strided.scatter [tilespmem:s15], [sflag:$0x2], $0x4000, s9, s13, $0x20;
	[tilespmem:$0x10100] =	vst v63  }
.LBB1_8:
0x43: {  	_ =	sfence.sel $0x180000  }
0x44: {  	s2 =	simm.s32 $0x1;
	[bflag:$0x0] =	sbarrier.arrive $0xFFFF  }
0x45: {  	s31 =	simm.s32 $0x2;
	[sflag:s2] =	ssyncpa.u1 $0x1  }
0x46: {  	[sflag:s31] =	ssyncpa.u1 $0x1  }
0x47: {  	p0 =	sne.s32 s0, $0x0;
	_ =	strace $0x9000004A  }
0x48: {  	s0 =	sadd.s32 @!p0 $0x100000, s1;
	[bflag:$0x2] =	sbarrier.arrive $0xFFFF  }
0x49: {  	[sflag:s0] =	ssyncadd.tile.s32 @!p0 $0x1;
	_ =	shalt  }
.Lfunc_end1:
_tile_overlayer_lowered:
.L_overlay_start_2:
0x4a: {  	(tag) =	ssettag $0x2  }
0x4b: {  	s0 =	rddreg [dreg:$0x0];
	s2 =	stileid.u32  }
0x4c: {  	s1 =	rddreg [dreg:$0x1];
	p0 =	sne.s32 s2, $0x0  }
0x4d: {  	s3 =	rddreg [dreg:$0x2];
	[bflag:$0x3] =	sbarrier.arrive $0xFFFF;
	s2 =	simm.s32 @!p0 $0x1C01  }
0x4e: {  	[timem:s3], [sflag:s2] =	dma.local @!p0 [hbm:s0], s1  }
0x4f: {  	s0 =	simm.s32 @!p0 $0x1  }
0x50: {  	_ =	swait.ge @!p0 [sflag:s0], s1  }
0x51: {  	s1 =	ssub.s32 @!p0 $0x0, s1;
	[sflag:s0] =	ssyncset.done @!p0 $0x0  }
0x52: {  	[sflag:s0] =	ssyncadd.s32 @!p0 s1  }
0x53: {  	[bflag:$0x3] =	sbarrier.arrive $0xFFFF  }
0x54: {  	_ =	shalt  }

</sc_bundles>
